<compile_context>
chip_gen: v7x
topology: tpu7x:2x2x1
jax: 0.10.2.dev20260603
libtpu: 0.0.44.dev20260713+nightly
codegen_flags: <defaults>
</compile_context>

<pallas_src>
import functools

import jax
import jax.numpy as jnp
from jax import lax
from jax.experimental import pallas as pl
from jax.experimental.pallas import tpu as pltpu
from jax.experimental.pallas import tpu_sc as plsc

L = 16
L2 = 32
NW = 32
G = 128
C = 256


@functools.cache
def _make_sc_kernel(E, Ep, N, D):
    per_w = Ep // NW
    tail = E - (NW - 1) * per_w
    n_chunks = per_w // C
    JW = D // L2
    assert per_w % C == 0 and D % L2 == 0

    mesh = plsc.VectorSubcoreMesh(core_axis_name="c", subcore_axis_name="s")

    @functools.partial(
        pl.kernel,
        mesh=mesh,
        out_type=jax.ShapeDtypeStruct((E,), jnp.float32),
        compiler_params=pltpu.CompilerParams(needs_layout_passes=False,
                                             use_tc_tiling_on_sc=False),
        scratch_types=[
            pltpu.VMEM((2, per_w // G, G), jnp.int32),
            pltpu.VMEM((2, C, D), jnp.bfloat16),
            pltpu.VMEM((2, C, D), jnp.bfloat16),
            pltpu.VMEM((per_w,), jnp.float32),
            pltpu.SemaphoreType.DMA((2,)),
            pltpu.SemaphoreType.DMA((2,)),
        ],
    )
    def sc_kernel(hsrc_hbm, hdst_hbm, eidx_hbm, out_hbm,
                  eidx_v, srow_v, drow_v, score_v, ssem, dsem):
        wid = lax.axis_index("s") * 2 + lax.axis_index("c")
        pltpu.sync_copy(eidx_hbm.at[:, wid], eidx_v)

        last_lane = lax.iota(jnp.int32, L) == L - 1

        def start(ci, b):
            for h in range(2):
                pltpu.async_copy(hsrc_hbm.at[eidx_v.at[0, 2 * ci + h]],
                                 srow_v.at[b, pl.ds(h * G, G)], ssem.at[b])
                pltpu.async_copy(hdst_hbm.at[eidx_v.at[1, 2 * ci + h]],
                                 drow_v.at[b, pl.ds(h * G, G)], dsem.at[b])

        def wait(ci, b):
            for h in range(2):
                pltpu.make_async_copy(
                    hsrc_hbm.at[eidx_v.at[0, 2 * ci + h]],
                    srow_v.at[b, pl.ds(h * G, G)], ssem.at[b]).wait()
                pltpu.make_async_copy(
                    hdst_hbm.at[eidx_v.at[1, 2 * ci + h]],
                    drow_v.at[b, pl.ds(h * G, G)], dsem.at[b]).wait()

        start(0, 0)

        def chunk_body(ci, carry):
            b = lax.rem(ci, 2)
            wait(ci, b)

            @pl.when(ci + 1 < n_chunks)
            def _():
                start(ci + 1, 1 - b)

            base = ci * C

            @plsc.parallel_loop(0, C, unroll=8)
            def ebody(e):
                prods = []
                for j in range(JW):
                    sl = srow_v[b, e, pl.ds(j * L2, L2)]
                    dl = drow_v[b, e, pl.ds(j * L2, L2)]
                    prods.append(sl * dl)
                while len(prods) > 1:
                    prods = [x + y for x, y in zip(prods[::2], prods[1::2])]
                pa, pb = plsc.unpack(prods[0],
                                     format=plsc.PackFormat.INTERLEAVED)
                csum = plsc.cumsum(pa + pb)
                plsc.store_scatter(score_v,
                                   [jnp.full((L,), base + e, jnp.int32)],
                                   csum, mask=last_lane)

            return carry

        lax.fori_loop(0, n_chunks, chunk_body, 0)

        @pl.when(wid < NW - 1)
        def _():
            pltpu.sync_copy(score_v, out_hbm.at[pl.ds(wid * per_w, per_w)])

        @pl.when(wid == NW - 1)
        def _():
            pltpu.sync_copy(score_v.at[pl.ds(0, tail)],
                            out_hbm.at[pl.ds((NW - 1) * per_w, tail)])

    return sc_kernel


def kernel(h_src, h_dst, edge_index):
    N, D = h_src.shape
    E = edge_index.shape[1]
    Ep = -(-E // (NW * C)) * (NW * C)
    src_bf = h_src.astype(jnp.bfloat16)
    dst_bf = h_dst.astype(jnp.bfloat16)
    fill = jax.lax.broadcasted_iota(jnp.int32, (2, Ep - E), 1) % N
    eidx = jnp.concatenate([edge_index, fill], axis=1)
    eidx = eidx.reshape(2, NW, Ep // NW // G, G)
    return _make_sc_kernel(E, Ep, N, D)(src_bf, dst_bf, eidx)

# --- scband reference (transcript-rebuilt; emitter-appended) ---
"""Pipeline reference for scband-predictor-50551765074168 (READ-ONLY COPY).

The authoritative reference and input builder live on the scoring server;
editing this copy changes nothing except your own understanding.
"""

import jax, jax.numpy as jnp
import numpy as np

N_NODES = 10000
N_EDGES = 320000
D_FEAT = 128


def setup_inputs(seed: int = 0) -> dict:
    key = jax.random.key(seed)
    k1, k2, k3 = jax.random.split(key, 3)
    h_src = jax.random.normal(k1, (N_NODES, D_FEAT), dtype=jnp.float32)
    h_dst = jax.random.normal(k2, (N_NODES, D_FEAT), dtype=jnp.float32)
    edge_index = jax.random.randint(k3, (2, N_EDGES), 0, N_NODES, dtype=jnp.int32)
    return {"h_src": h_src, "h_dst": h_dst, "edge_index": edge_index}


def reference(h_src, h_dst, edge_index):
    # Faithful translation of Predictor.forward for a single edge_type:
    #   src_h = h[edge_type[0]][edge_index[0]]
    #   dst_h = h[edge_type[2]][edge_index[1]]
    #   score = sum(src_h * dst_h, dim=1)
    src_h = jnp.take(h_src, edge_index[0], axis=0)
    dst_h = jnp.take(h_dst, edge_index[1], axis=0)
    score = jnp.sum(src_h * dst_h, axis=1)
    return score

if __name__ == "__main__":
    import jax
    _d = setup_inputs()
    print(jax.jit(kernel)(*tuple(_d.values())))

</pallas_src>

<mosaic_0001>
#map = affine_map<(d0, d1) -> (0, 0)>
#map1 = affine_map<(d0, d1) -> (0, 0, 0, 0)>
#map2 = affine_map<(d0, d1) -> (0)>
module attributes {stable_mosaic.version = 14 : i64} {
  func.func @sc_kernel(%arg0: i32, %arg1: i32, %arg2: memref<10000x128xbf16, #tpu.memory_space<hbm>>, %arg3: memref<10000x128xbf16, #tpu.memory_space<hbm>>, %arg4: memref<2x32x80x128xi32, #tpu.memory_space<hbm>>, %arg5: memref<320000xf32, #tpu.memory_space<hbm>>, %arg6: memref<2x80x128xi32, #tpu.memory_space<vmem>>, %arg7: memref<2x256x128xbf16, #tpu.memory_space<vmem>>, %arg8: memref<2x256x128xbf16, #tpu.memory_space<vmem>>, %arg9: memref<10240xf32, #tpu.memory_space<vmem>>, %arg10: memref<2x!tpu.dma_semaphore, #tpu.memory_space<semaphore_mem>>, %arg11: memref<2x!tpu.dma_semaphore, #tpu.memory_space<semaphore_mem>>) attributes {dimension_semantics = [#tpu.dimension_semantics<core_parallel>, #tpu.dimension_semantics<subcore_parallel>], iteration_bounds = array<i64: 2, 16>, scalar_prefetch = 0 : i64, scratch_operands = 6 : i64, tpu.core_type = #tpu.core_type<sc_vector_subcore>, window_params = [{transform_indices = #map}, {transform_indices = #map}, {transform_indices = #map1}, {transform_indices = #map2}]} {
    %mul3A = arith.constant 2 : i32
    %mul3A_0 = arith.muli %arg1, %mul3A : i32
    %add3A = arith.addi %mul3A_0, %arg0 : i32
    "tpu.region"() ({
      %run_scoped3A = tpu.sem_alloc : memref<!tpu.dma_semaphore, #tpu.memory_space<semaphore_mem>>
      %dma_start3A_78 = arith.constant 0 : i32
      %dma_start3A_79 = arith.constant 0 : i32
      %dma_start3A_80 = arith.constant 0 : i32
      %dma_start3A_81 = tpu.memref_slice %arg4[%dma_start3A_78, %add3A, %dma_start3A_79, %dma_start3A_80] : memref<2x32x80x128xi32, #tpu.memory_space<hbm>> -> memref<2x1x80x128xi32, #tpu.memory_space<hbm>>
      %dma_start3A_82 = tpu.memref_squeeze %dma_start3A_81 : memref<2x1x80x128xi32, #tpu.memory_space<hbm>> -> memref<2x80x128xi32, #tpu.memory_space<hbm>>
      %dma_start3A_83 = arith.constant 0 : i32
      %dma_start3A_84 = arith.constant 0 : i32
      %dma_start3A_85 = arith.constant 0 : i32
      %dma_start3A_86 = tpu.memref_slice %arg4[%dma_start3A_83, %add3A, %dma_start3A_84, %dma_start3A_85] : memref<2x32x80x128xi32, #tpu.memory_space<hbm>> -> memref<2x1x80x128xi32, #tpu.memory_space<hbm>>
      %dma_start3A_87 = tpu.memref_squeeze %dma_start3A_86 : memref<2x1x80x128xi32, #tpu.memory_space<hbm>> -> memref<2x80x128xi32, #tpu.memory_space<hbm>>
      tpu.enqueue_dma source(%dma_start3A_87 : memref<2x80x128xi32, #tpu.memory_space<hbm>>) target(%arg6 : memref<2x80x128xi32, #tpu.memory_space<vmem>>) target_semaphore(%run_scoped3A : memref<!tpu.dma_semaphore, #tpu.memory_space<semaphore_mem>>)
      %dma_wait3A = arith.constant 0 : i32
      %dma_wait3A_88 = arith.constant 0 : i32
      %dma_wait3A_89 = arith.constant 0 : i32
      %dma_wait3A_90 = tpu.memref_slice %arg4[%dma_wait3A, %add3A, %dma_wait3A_88, %dma_wait3A_89] : memref<2x32x80x128xi32, #tpu.memory_space<hbm>> -> memref<2x1x80x128xi32, #tpu.memory_space<hbm>>
      %dma_wait3A_91 = tpu.memref_squeeze %dma_wait3A_90 : memref<2x1x80x128xi32, #tpu.memory_space<hbm>> -> memref<2x80x128xi32, #tpu.memory_space<hbm>>
      %dma_wait3A_92 = arith.constant 0 : i32
      %dma_wait3A_93 = arith.constant 0 : i32
      %dma_wait3A_94 = arith.constant 0 : i32
      %dma_wait3A_95 = tpu.memref_slice %arg4[%dma_wait3A_92, %add3A, %dma_wait3A_93, %dma_wait3A_94] : memref<2x32x80x128xi32, #tpu.memory_space<hbm>> -> memref<2x1x80x128xi32, #tpu.memory_space<hbm>>
      %dma_wait3A_96 = tpu.memref_squeeze %dma_wait3A_95 : memref<2x1x80x128xi32, #tpu.memory_space<hbm>> -> memref<2x80x128xi32, #tpu.memory_space<hbm>>
      tpu.wait_dma2 semaphore(%run_scoped3A : memref<!tpu.dma_semaphore, #tpu.memory_space<semaphore_mem>>) src(%dma_wait3A_96 : memref<2x80x128xi32, #tpu.memory_space<hbm>>) dst(%arg6 : memref<2x80x128xi32, #tpu.memory_space<vmem>>)
      tpu.yield
    }) : () -> ()
    %iota3A = tpu.iota {dimensions = array<i32: 0>} : vector<16xi32>
    %eq3A = arith.constant 15 : i32
    %eq3A_1 = vector.broadcast %eq3A : i32 to vector<16xi32>
    %eq3A_2 = arith.cmpi eq, %iota3A, %eq3A_1 : vector<16xi32>
    %dma_start3A = arith.constant 0 : i32
    %dma_start3A_3 = arith.constant 0 : i32
    %dma_start3A_4 = arith.constant 0 : i32
    %dma_start3A_5 = arith.constant 0 : i32
    %dma_start3A_6 = arith.constant 0 : i32
    %dma_start3A_7 = arith.constant 0 : i32
    %dma_start3A_8 = tpu.memref_slice %arg7[%dma_start3A_4, %dma_start3A_6, %dma_start3A_7] : memref<2x256x128xbf16, #tpu.memory_space<vmem>> -> memref<1x128x128xbf16, #tpu.memory_space<vmem>>
    %dma_start3A_9 = tpu.memref_squeeze %dma_start3A_8 : memref<1x128x128xbf16, #tpu.memory_space<vmem>> -> memref<128x128xbf16, #tpu.memory_space<vmem>>
    %dma_start3A_10 = arith.constant 0 : i32
    %dma_start3A_11 = tpu.memref_slice %arg6[%dma_start3A, %dma_start3A_3, %dma_start3A_10] : memref<2x80x128xi32, #tpu.memory_space<vmem>> -> memref<1x1x128xi32, #tpu.memory_space<vmem>>
    %dma_start3A_12 = tpu.memref_squeeze %dma_start3A_11 : memref<1x1x128xi32, #tpu.memory_space<vmem>> -> memref<128xi32, #tpu.memory_space<vmem>>
    %dma_start3A_13 = arith.constant 0 : i32
    %dma_start3A_14 = arith.constant 0 : i32
    %dma_start3A_15 = tpu.memref_slice %arg2[%dma_start3A_13, %dma_start3A_14] : memref<10000x128xbf16, #tpu.memory_space<hbm>> -> memref<10000x128xbf16, #tpu.memory_space<hbm>>
    %dma_start3A_16 = tpu.memref_slice %arg10[%dma_start3A_5] : memref<2x!tpu.dma_semaphore, #tpu.memory_space<semaphore_mem>> -> memref<1x!tpu.dma_semaphore, #tpu.memory_space<semaphore_mem>>
    %dma_start3A_17 = tpu.memref_squeeze %dma_start3A_16 : memref<1x!tpu.dma_semaphore, #tpu.memory_space<semaphore_mem>> -> memref<!tpu.dma_semaphore, #tpu.memory_space<semaphore_mem>>
    tpu.enqueue_indirect_dma source(%dma_start3A_15 : memref<10000x128xbf16, #tpu.memory_space<hbm>>) target(%dma_start3A_9 : memref<128x128xbf16, #tpu.memory_space<vmem>>) offsets(%dma_start3A_12 : memref<128xi32, #tpu.memory_space<vmem>>) semaphore(%dma_start3A_17 : memref<!tpu.dma_semaphore, #tpu.memory_space<semaphore_mem>>)
    %dma_start3A_18 = arith.constant 1 : i32
    %dma_start3A_19 = arith.constant 0 : i32
    %dma_start3A_20 = arith.constant 0 : i32
    %dma_start3A_21 = arith.constant 0 : i32
    %dma_start3A_22 = arith.constant 0 : i32
    %dma_start3A_23 = arith.constant 0 : i32
    %dma_start3A_24 = tpu.memref_slice %arg8[%dma_start3A_20, %dma_start3A_22, %dma_start3A_23] : memref<2x256x128xbf16, #tpu.memory_space<vmem>> -> memref<1x128x128xbf16, #tpu.memory_space<vmem>>
    %dma_start3A_25 = tpu.memref_squeeze %dma_start3A_24 : memref<1x128x128xbf16, #tpu.memory_space<vmem>> -> memref<128x128xbf16, #tpu.memory_space<vmem>>
    %dma_start3A_26 = arith.constant 0 : i32
    %dma_start3A_27 = tpu.memref_slice %arg6[%dma_start3A_18, %dma_start3A_19, %dma_start3A_26] : memref<2x80x128xi32, #tpu.memory_space<vmem>> -> memref<1x1x128xi32, #tpu.memory_space<vmem>>
    %dma_start3A_28 = tpu.memref_squeeze %dma_start3A_27 : memref<1x1x128xi32, #tpu.memory_space<vmem>> -> memref<128xi32, #tpu.memory_space<vmem>>
    %dma_start3A_29 = arith.constant 0 : i32
    %dma_start3A_30 = arith.constant 0 : i32
    %dma_start3A_31 = tpu.memref_slice %arg3[%dma_start3A_29, %dma_start3A_30] : memref<10000x128xbf16, #tpu.memory_space<hbm>> -> memref<10000x128xbf16, #tpu.memory_space<hbm>>
    %dma_start3A_32 = tpu.memref_slice %arg11[%dma_start3A_21] : memref<2x!tpu.dma_semaphore, #tpu.memory_space<semaphore_mem>> -> memref<1x!tpu.dma_semaphore, #tpu.memory_space<semaphore_mem>>
    %dma_start3A_33 = tpu.memref_squeeze %dma_start3A_32 : memref<1x!tpu.dma_semaphore, #tpu.memory_space<semaphore_mem>> -> memref<!tpu.dma_semaphore, #tpu.memory_space<semaphore_mem>>
    tpu.enqueue_indirect_dma source(%dma_start3A_31 : memref<10000x128xbf16, #tpu.memory_space<hbm>>) target(%dma_start3A_25 : memref<128x128xbf16, #tpu.memory_space<vmem>>) offsets(%dma_start3A_28 : memref<128xi32, #tpu.memory_space<vmem>>) semaphore(%dma_start3A_33 : memref<!tpu.dma_semaphore, #tpu.memory_space<semaphore_mem>>)
    %dma_start3A_34 = arith.constant 0 : i32
    %dma_start3A_35 = arith.constant 1 : i32
    %dma_start3A_36 = arith.constant 0 : i32
    %dma_start3A_37 = arith.constant 0 : i32
    %dma_start3A_38 = arith.constant 128 : i32
    %dma_start3A_39 = arith.constant 0 : i32
    %dma_start3A_40 = tpu.memref_slice %arg7[%dma_start3A_36, %dma_start3A_38, %dma_start3A_39] : memref<2x256x128xbf16, #tpu.memory_space<vmem>> -> memref<1x128x128xbf16, #tpu.memory_space<vmem>>
    %dma_start3A_41 = tpu.memref_squeeze %dma_start3A_40 : memref<1x128x128xbf16, #tpu.memory_space<vmem>> -> memref<128x128xbf16, #tpu.memory_space<vmem>>
    %dma_start3A_42 = arith.constant 0 : i32
    %dma_start3A_43 = tpu.memref_slice %arg6[%dma_start3A_34, %dma_start3A_35, %dma_start3A_42] : memref<2x80x128xi32, #tpu.memory_space<vmem>> -> memref<1x1x128xi32, #tpu.memory_space<vmem>>
    %dma_start3A_44 = tpu.memref_squeeze %dma_start3A_43 : memref<1x1x128xi32, #tpu.memory_space<vmem>> -> memref<128xi32, #tpu.memory_space<vmem>>
    %dma_start3A_45 = arith.constant 0 : i32
    %dma_start3A_46 = arith.constant 0 : i32
    %dma_start3A_47 = tpu.memref_slice %arg2[%dma_start3A_45, %dma_start3A_46] : memref<10000x128xbf16, #tpu.memory_space<hbm>> -> memref<10000x128xbf16, #tpu.memory_space<hbm>>
    %dma_start3A_48 = tpu.memref_slice %arg10[%dma_start3A_37] : memref<2x!tpu.dma_semaphore, #tpu.memory_space<semaphore_mem>> -> memref<1x!tpu.dma_semaphore, #tpu.memory_space<semaphore_mem>>
    %dma_start3A_49 = tpu.memref_squeeze %dma_start3A_48 : memref<1x!tpu.dma_semaphore, #tpu.memory_space<semaphore_mem>> -> memref<!tpu.dma_semaphore, #tpu.memory_space<semaphore_mem>>
    tpu.enqueue_indirect_dma source(%dma_start3A_47 : memref<10000x128xbf16, #tpu.memory_space<hbm>>) target(%dma_start3A_41 : memref<128x128xbf16, #tpu.memory_space<vmem>>) offsets(%dma_start3A_44 : memref<128xi32, #tpu.memory_space<vmem>>) semaphore(%dma_start3A_49 : memref<!tpu.dma_semaphore, #tpu.memory_space<semaphore_mem>>)
    %dma_start3A_50 = arith.constant 1 : i32
    %dma_start3A_51 = arith.constant 1 : i32
    %dma_start3A_52 = arith.constant 0 : i32
    %dma_start3A_53 = arith.constant 0 : i32
    %dma_start3A_54 = arith.constant 128 : i32
    %dma_start3A_55 = arith.constant 0 : i32
    %dma_start3A_56 = tpu.memref_slice %arg8[%dma_start3A_52, %dma_start3A_54, %dma_start3A_55] : memref<2x256x128xbf16, #tpu.memory_space<vmem>> -> memref<1x128x128xbf16, #tpu.memory_space<vmem>>
    %dma_start3A_57 = tpu.memref_squeeze %dma_start3A_56 : memref<1x128x128xbf16, #tpu.memory_space<vmem>> -> memref<128x128xbf16, #tpu.memory_space<vmem>>
    %dma_start3A_58 = arith.constant 0 : i32
    %dma_start3A_59 = tpu.memref_slice %arg6[%dma_start3A_50, %dma_start3A_51, %dma_start3A_58] : memref<2x80x128xi32, #tpu.memory_space<vmem>> -> memref<1x1x128xi32, #tpu.memory_space<vmem>>
    %dma_start3A_60 = tpu.memref_squeeze %dma_start3A_59 : memref<1x1x128xi32, #tpu.memory_space<vmem>> -> memref<128xi32, #tpu.memory_space<vmem>>
    %dma_start3A_61 = arith.constant 0 : i32
    %dma_start3A_62 = arith.constant 0 : i32
    %dma_start3A_63 = tpu.memref_slice %arg3[%dma_start3A_61, %dma_start3A_62] : memref<10000x128xbf16, #tpu.memory_space<hbm>> -> memref<10000x128xbf16, #tpu.memory_space<hbm>>
    %dma_start3A_64 = tpu.memref_slice %arg11[%dma_start3A_53] : memref<2x!tpu.dma_semaphore, #tpu.memory_space<semaphore_mem>> -> memref<1x!tpu.dma_semaphore, #tpu.memory_space<semaphore_mem>>
    %dma_start3A_65 = tpu.memref_squeeze %dma_start3A_64 : memref<1x!tpu.dma_semaphore, #tpu.memory_space<semaphore_mem>> -> memref<!tpu.dma_semaphore, #tpu.memory_space<semaphore_mem>>
    tpu.enqueue_indirect_dma source(%dma_start3A_63 : memref<10000x128xbf16, #tpu.memory_space<hbm>>) target(%dma_start3A_57 : memref<128x128xbf16, #tpu.memory_space<vmem>>) offsets(%dma_start3A_60 : memref<128xi32, #tpu.memory_space<vmem>>) semaphore(%dma_start3A_65 : memref<!tpu.dma_semaphore, #tpu.memory_space<semaphore_mem>>)
    %scan3A = arith.constant 0 : i32
    %scan3A_66 = arith.constant 0 : i32
    %scan3A_67 = arith.constant 40 : i32
    %scan3A_68 = arith.addi %scan3A_66, %scan3A_67 : i32
    %scan3A_69 = arith.constant 1 : i32
    scf.for %scan3A_78 = %scan3A_66 to %scan3A_68 step %scan3A_69  : i32 {
      %rem3A = arith.constant 2 : i32
      %rem3A_79 = arith.remsi %scan3A_78, %rem3A : i32
      %mul3A_80 = arith.constant 2 : i32
      %mul3A_81 = arith.muli %mul3A_80, %scan3A_78 : i32
      %add3A_82 = arith.constant 0 : i32
      %add3A_83 = arith.addi %mul3A_81, %add3A_82 : i32
      %dma_wait3A = arith.constant 0 : i32
      %dma_wait3A_84 = arith.constant 0 : i32
      %dma_wait3A_85 = arith.constant 0 : i32
      %dma_wait3A_86 = tpu.memref_slice %arg7[%rem3A_79, %dma_wait3A_84, %dma_wait3A_85] : memref<2x256x128xbf16, #tpu.memory_space<vmem>> -> memref<1x128x128xbf16, #tpu.memory_space<vmem>>
      %dma_wait3A_87 = tpu.memref_squeeze %dma_wait3A_86 : memref<1x128x128xbf16, #tpu.memory_space<vmem>> -> memref<128x128xbf16, #tpu.memory_space<vmem>>
      %dma_wait3A_88 = arith.constant 0 : i32
      %dma_wait3A_89 = tpu.memref_slice %arg6[%dma_wait3A, %add3A_83, %dma_wait3A_88] : memref<2x80x128xi32, #tpu.memory_space<vmem>> -> memref<1x1x128xi32, #tpu.memory_space<vmem>>
      %dma_wait3A_90 = tpu.memref_squeeze %dma_wait3A_89 : memref<1x1x128xi32, #tpu.memory_space<vmem>> -> memref<128xi32, #tpu.memory_space<vmem>>
      %dma_wait3A_91 = arith.constant 0 : i32
      %dma_wait3A_92 = arith.constant 0 : i32
      %dma_wait3A_93 = tpu.memref_slice %arg2[%dma_wait3A_91, %dma_wait3A_92] : memref<10000x128xbf16, #tpu.memory_space<hbm>> -> memref<10000x128xbf16, #tpu.memory_space<hbm>>
      %dma_wait3A_94 = tpu.memref_slice %arg10[%rem3A_79] : memref<2x!tpu.dma_semaphore, #tpu.memory_space<semaphore_mem>> -> memref<1x!tpu.dma_semaphore, #tpu.memory_space<semaphore_mem>>
      %dma_wait3A_95 = tpu.memref_squeeze %dma_wait3A_94 : memref<1x!tpu.dma_semaphore, #tpu.memory_space<semaphore_mem>> -> memref<!tpu.dma_semaphore, #tpu.memory_space<semaphore_mem>>
      tpu.wait_indirect_dma semaphore(%dma_wait3A_95 : memref<!tpu.dma_semaphore, #tpu.memory_space<semaphore_mem>>) src(%dma_wait3A_93 : memref<10000x128xbf16, #tpu.memory_space<hbm>>) dst(%dma_wait3A_87 : memref<128x128xbf16, #tpu.memory_space<vmem>>)
      %mul3A_96 = arith.constant 2 : i32
      %mul3A_97 = arith.muli %mul3A_96, %scan3A_78 : i32
      %add3A_98 = arith.constant 0 : i32
      %add3A_99 = arith.addi %mul3A_97, %add3A_98 : i32
      %dma_wait3A_100 = arith.constant 1 : i32
      %dma_wait3A_101 = arith.constant 0 : i32
      %dma_wait3A_102 = arith.constant 0 : i32
      %dma_wait3A_103 = tpu.memref_slice %arg8[%rem3A_79, %dma_wait3A_101, %dma_wait3A_102] : memref<2x256x128xbf16, #tpu.memory_space<vmem>> -> memref<1x128x128xbf16, #tpu.memory_space<vmem>>
      %dma_wait3A_104 = tpu.memref_squeeze %dma_wait3A_103 : memref<1x128x128xbf16, #tpu.memory_space<vmem>> -> memref<128x128xbf16, #tpu.memory_space<vmem>>
      %dma_wait3A_105 = arith.constant 0 : i32
      %dma_wait3A_106 = tpu.memref_slice %arg6[%dma_wait3A_100, %add3A_99, %dma_wait3A_105] : memref<2x80x128xi32, #tpu.memory_space<vmem>> -> memref<1x1x128xi32, #tpu.memory_space<vmem>>
      %dma_wait3A_107 = tpu.memref_squeeze %dma_wait3A_106 : memref<1x1x128xi32, #tpu.memory_space<vmem>> -> memref<128xi32, #tpu.memory_space<vmem>>
      %dma_wait3A_108 = arith.constant 0 : i32
      %dma_wait3A_109 = arith.constant 0 : i32
      %dma_wait3A_110 = tpu.memref_slice %arg3[%dma_wait3A_108, %dma_wait3A_109] : memref<10000x128xbf16, #tpu.memory_space<hbm>> -> memref<10000x128xbf16, #tpu.memory_space<hbm>>
      %dma_wait3A_111 = tpu.memref_slice %arg11[%rem3A_79] : memref<2x!tpu.dma_semaphore, #tpu.memory_space<semaphore_mem>> -> memref<1x!tpu.dma_semaphore, #tpu.memory_space<semaphore_mem>>
      %dma_wait3A_112 = tpu.memref_squeeze %dma_wait3A_111 : memref<1x!tpu.dma_semaphore, #tpu.memory_space<semaphore_mem>> -> memref<!tpu.dma_semaphore, #tpu.memory_space<semaphore_mem>>
      tpu.wait_indirect_dma semaphore(%dma_wait3A_112 : memref<!tpu.dma_semaphore, #tpu.memory_space<semaphore_mem>>) src(%dma_wait3A_110 : memref<10000x128xbf16, #tpu.memory_space<hbm>>) dst(%dma_wait3A_104 : memref<128x128xbf16, #tpu.memory_space<vmem>>)
      %mul3A_113 = arith.constant 2 : i32
      %mul3A_114 = arith.muli %mul3A_113, %scan3A_78 : i32
      %add3A_115 = arith.constant 1 : i32
      %add3A_116 = arith.addi %mul3A_114, %add3A_115 : i32
      %dma_wait3A_117 = arith.constant 0 : i32
      %dma_wait3A_118 = arith.constant 128 : i32
      %dma_wait3A_119 = arith.constant 0 : i32
      %dma_wait3A_120 = tpu.memref_slice %arg7[%rem3A_79, %dma_wait3A_118, %dma_wait3A_119] : memref<2x256x128xbf16, #tpu.memory_space<vmem>> -> memref<1x128x128xbf16, #tpu.memory_space<vmem>>
      %dma_wait3A_121 = tpu.memref_squeeze %dma_wait3A_120 : memref<1x128x128xbf16, #tpu.memory_space<vmem>> -> memref<128x128xbf16, #tpu.memory_space<vmem>>
      %dma_wait3A_122 = arith.constant 0 : i32
      %dma_wait3A_123 = tpu.memref_slice %arg6[%dma_wait3A_117, %add3A_116, %dma_wait3A_122] : memref<2x80x128xi32, #tpu.memory_space<vmem>> -> memref<1x1x128xi32, #tpu.memory_space<vmem>>
      %dma_wait3A_124 = tpu.memref_squeeze %dma_wait3A_123 : memref<1x1x128xi32, #tpu.memory_space<vmem>> -> memref<128xi32, #tpu.memory_space<vmem>>
      %dma_wait3A_125 = arith.constant 0 : i32
      %dma_wait3A_126 = arith.constant 0 : i32
      %dma_wait3A_127 = tpu.memref_slice %arg2[%dma_wait3A_125, %dma_wait3A_126] : memref<10000x128xbf16, #tpu.memory_space<hbm>> -> memref<10000x128xbf16, #tpu.memory_space<hbm>>
      %dma_wait3A_128 = tpu.memref_slice %arg10[%rem3A_79] : memref<2x!tpu.dma_semaphore, #tpu.memory_space<semaphore_mem>> -> memref<1x!tpu.dma_semaphore, #tpu.memory_space<semaphore_mem>>
      %dma_wait3A_129 = tpu.memref_squeeze %dma_wait3A_128 : memref<1x!tpu.dma_semaphore, #tpu.memory_space<semaphore_mem>> -> memref<!tpu.dma_semaphore, #tpu.memory_space<semaphore_mem>>
      tpu.wait_indirect_dma semaphore(%dma_wait3A_129 : memref<!tpu.dma_semaphore, #tpu.memory_space<semaphore_mem>>) src(%dma_wait3A_127 : memref<10000x128xbf16, #tpu.memory_space<hbm>>) dst(%dma_wait3A_121 : memref<128x128xbf16, #tpu.memory_space<vmem>>)
      %mul3A_130 = arith.constant 2 : i32
      %mul3A_131 = arith.muli %mul3A_130, %scan3A_78 : i32
      %add3A_132 = arith.constant 1 : i32
      %add3A_133 = arith.addi %mul3A_131, %add3A_132 : i32
      %dma_wait3A_134 = arith.constant 1 : i32
      %dma_wait3A_135 = arith.constant 128 : i32
      %dma_wait3A_136 = arith.constant 0 : i32
      %dma_wait3A_137 = tpu.memref_slice %arg8[%rem3A_79, %dma_wait3A_135, %dma_wait3A_136] : memref<2x256x128xbf16, #tpu.memory_space<vmem>> -> memref<1x128x128xbf16, #tpu.memory_space<vmem>>
      %dma_wait3A_138 = tpu.memref_squeeze %dma_wait3A_137 : memref<1x128x128xbf16, #tpu.memory_space<vmem>> -> memref<128x128xbf16, #tpu.memory_space<vmem>>
      %dma_wait3A_139 = arith.constant 0 : i32
      %dma_wait3A_140 = tpu.memref_slice %arg6[%dma_wait3A_134, %add3A_133, %dma_wait3A_139] : memref<2x80x128xi32, #tpu.memory_space<vmem>> -> memref<1x1x128xi32, #tpu.memory_space<vmem>>
      %dma_wait3A_141 = tpu.memref_squeeze %dma_wait3A_140 : memref<1x1x128xi32, #tpu.memory_space<vmem>> -> memref<128xi32, #tpu.memory_space<vmem>>
      %dma_wait3A_142 = arith.constant 0 : i32
      %dma_wait3A_143 = arith.constant 0 : i32
      %dma_wait3A_144 = tpu.memref_slice %arg3[%dma_wait3A_142, %dma_wait3A_143] : memref<10000x128xbf16, #tpu.memory_space<hbm>> -> memref<10000x128xbf16, #tpu.memory_space<hbm>>
      %dma_wait3A_145 = tpu.memref_slice %arg11[%rem3A_79] : memref<2x!tpu.dma_semaphore, #tpu.memory_space<semaphore_mem>> -> memref<1x!tpu.dma_semaphore, #tpu.memory_space<semaphore_mem>>
      %dma_wait3A_146 = tpu.memref_squeeze %dma_wait3A_145 : memref<1x!tpu.dma_semaphore, #tpu.memory_space<semaphore_mem>> -> memref<!tpu.dma_semaphore, #tpu.memory_space<semaphore_mem>>
      tpu.wait_indirect_dma semaphore(%dma_wait3A_146 : memref<!tpu.dma_semaphore, #tpu.memory_space<semaphore_mem>>) src(%dma_wait3A_144 : memref<10000x128xbf16, #tpu.memory_space<hbm>>) dst(%dma_wait3A_138 : memref<128x128xbf16, #tpu.memory_space<vmem>>)
      %add3A_147 = arith.constant 1 : i32
      %add3A_148 = arith.addi %scan3A_78, %add3A_147 : i32
      %lt3A_149 = arith.constant 40 : i32
      %lt3A_150 = arith.cmpi slt, %add3A_148, %lt3A_149 : i32
      %convert_element_type3A_151 = arith.extui %lt3A_150 : i1 to i32
      %cond3A_152 = arith.constant 0 : i32
      %cond3A_153 = arith.cmpi ne, %convert_element_type3A_151, %cond3A_152 : i32
      scf.if %cond3A_153 {
        %add3A_158 = arith.constant 1 : i32
        %add3A_159 = arith.addi %scan3A_78, %add3A_158 : i32
        %sub3A = arith.constant 1 : i32
        %sub3A_160 = arith.subi %sub3A, %rem3A_79 : i32
        %mul3A_161 = arith.constant 2 : i32
        %mul3A_162 = arith.muli %mul3A_161, %add3A_159 : i32
        %add3A_163 = arith.constant 0 : i32
        %add3A_164 = arith.addi %mul3A_162, %add3A_163 : i32
        %dma_start3A_165 = arith.constant 0 : i32
        %dma_start3A_166 = arith.constant 0 : i32
        %dma_start3A_167 = arith.constant 0 : i32
        %dma_start3A_168 = tpu.memref_slice %arg7[%sub3A_160, %dma_start3A_166, %dma_start3A_167] : memref<2x256x128xbf16, #tpu.memory_space<vmem>> -> memref<1x128x128xbf16, #tpu.memory_space<vmem>>
        %dma_start3A_169 = tpu.memref_squeeze %dma_start3A_168 : memref<1x128x128xbf16, #tpu.memory_space<vmem>> -> memref<128x128xbf16, #tpu.memory_space<vmem>>
        %dma_start3A_170 = arith.constant 0 : i32
        %dma_start3A_171 = tpu.memref_slice %arg6[%dma_start3A_165, %add3A_164, %dma_start3A_170] : memref<2x80x128xi32, #tpu.memory_space<vmem>> -> memref<1x1x128xi32, #tpu.memory_space<vmem>>
        %dma_start3A_172 = tpu.memref_squeeze %dma_start3A_171 : memref<1x1x128xi32, #tpu.memory_space<vmem>> -> memref<128xi32, #tpu.memory_space<vmem>>
        %dma_start3A_173 = arith.constant 0 : i32
        %dma_start3A_174 = arith.constant 0 : i32
        %dma_start3A_175 = tpu.memref_slice %arg2[%dma_start3A_173, %dma_start3A_174] : memref<10000x128xbf16, #tpu.memory_space<hbm>> -> memref<10000x128xbf16, #tpu.memory_space<hbm>>
        %dma_start3A_176 = tpu.memref_slice %arg10[%sub3A_160] : memref<2x!tpu.dma_semaphore, #tpu.memory_space<semaphore_mem>> -> memref<1x!tpu.dma_semaphore, #tpu.memory_space<semaphore_mem>>
        %dma_start3A_177 = tpu.memref_squeeze %dma_start3A_176 : memref<1x!tpu.dma_semaphore, #tpu.memory_space<semaphore_mem>> -> memref<!tpu.dma_semaphore, #tpu.memory_space<semaphore_mem>>
        tpu.enqueue_indirect_dma source(%dma_start3A_175 : memref<10000x128xbf16, #tpu.memory_space<hbm>>) target(%dma_start3A_169 : memref<128x128xbf16, #tpu.memory_space<vmem>>) offsets(%dma_start3A_172 : memref<128xi32, #tpu.memory_space<vmem>>) semaphore(%dma_start3A_177 : memref<!tpu.dma_semaphore, #tpu.memory_space<semaphore_mem>>)
        %mul3A_178 = arith.constant 2 : i32
        %mul3A_179 = arith.muli %mul3A_178, %add3A_159 : i32
        %add3A_180 = arith.constant 0 : i32
        %add3A_181 = arith.addi %mul3A_179, %add3A_180 : i32
        %dma_start3A_182 = arith.constant 1 : i32
        %dma_start3A_183 = arith.constant 0 : i32
        %dma_start3A_184 = arith.constant 0 : i32
        %dma_start3A_185 = tpu.memref_slice %arg8[%sub3A_160, %dma_start3A_183, %dma_start3A_184] : memref<2x256x128xbf16, #tpu.memory_space<vmem>> -> memref<1x128x128xbf16, #tpu.memory_space<vmem>>
        %dma_start3A_186 = tpu.memref_squeeze %dma_start3A_185 : memref<1x128x128xbf16, #tpu.memory_space<vmem>> -> memref<128x128xbf16, #tpu.memory_space<vmem>>
        %dma_start3A_187 = arith.constant 0 : i32
        %dma_start3A_188 = tpu.memref_slice %arg6[%dma_start3A_182, %add3A_181, %dma_start3A_187] : memref<2x80x128xi32, #tpu.memory_space<vmem>> -> memref<1x1x128xi32, #tpu.memory_space<vmem>>
        %dma_start3A_189 = tpu.memref_squeeze %dma_start3A_188 : memref<1x1x128xi32, #tpu.memory_space<vmem>> -> memref<128xi32, #tpu.memory_space<vmem>>
        %dma_start3A_190 = arith.constant 0 : i32
        %dma_start3A_191 = arith.constant 0 : i32
        %dma_start3A_192 = tpu.memref_slice %arg3[%dma_start3A_190, %dma_start3A_191] : memref<10000x128xbf16, #tpu.memory_space<hbm>> -> memref<10000x128xbf16, #tpu.memory_space<hbm>>
        %dma_start3A_193 = tpu.memref_slice %arg11[%sub3A_160] : memref<2x!tpu.dma_semaphore, #tpu.memory_space<semaphore_mem>> -> memref<1x!tpu.dma_semaphore, #tpu.memory_space<semaphore_mem>>
        %dma_start3A_194 = tpu.memref_squeeze %dma_start3A_193 : memref<1x!tpu.dma_semaphore, #tpu.memory_space<semaphore_mem>> -> memref<!tpu.dma_semaphore, #tpu.memory_space<semaphore_mem>>
        tpu.enqueue_indirect_dma source(%dma_start3A_192 : memref<10000x128xbf16, #tpu.memory_space<hbm>>) target(%dma_start3A_186 : memref<128x128xbf16, #tpu.memory_space<vmem>>) offsets(%dma_start3A_189 : memref<128xi32, #tpu.memory_space<vmem>>) semaphore(%dma_start3A_194 : memref<!tpu.dma_semaphore, #tpu.memory_space<semaphore_mem>>)
        %mul3A_195 = arith.constant 2 : i32
        %mul3A_196 = arith.muli %mul3A_195, %add3A_159 : i32
        %add3A_197 = arith.constant 1 : i32
        %add3A_198 = arith.addi %mul3A_196, %add3A_197 : i32
        %dma_start3A_199 = arith.constant 0 : i32
        %dma_start3A_200 = arith.constant 128 : i32
        %dma_start3A_201 = arith.constant 0 : i32
        %dma_start3A_202 = tpu.memref_slice %arg7[%sub3A_160, %dma_start3A_200, %dma_start3A_201] : memref<2x256x128xbf16, #tpu.memory_space<vmem>> -> memref<1x128x128xbf16, #tpu.memory_space<vmem>>
        %dma_start3A_203 = tpu.memref_squeeze %dma_start3A_202 : memref<1x128x128xbf16, #tpu.memory_space<vmem>> -> memref<128x128xbf16, #tpu.memory_space<vmem>>
        %dma_start3A_204 = arith.constant 0 : i32
        %dma_start3A_205 = tpu.memref_slice %arg6[%dma_start3A_199, %add3A_198, %dma_start3A_204] : memref<2x80x128xi32, #tpu.memory_space<vmem>> -> memref<1x1x128xi32, #tpu.memory_space<vmem>>
        %dma_start3A_206 = tpu.memref_squeeze %dma_start3A_205 : memref<1x1x128xi32, #tpu.memory_space<vmem>> -> memref<128xi32, #tpu.memory_space<vmem>>
        %dma_start3A_207 = arith.constant 0 : i32
        %dma_start3A_208 = arith.constant 0 : i32
        %dma_start3A_209 = tpu.memref_slice %arg2[%dma_start3A_207, %dma_start3A_208] : memref<10000x128xbf16, #tpu.memory_space<hbm>> -> memref<10000x128xbf16, #tpu.memory_space<hbm>>
        %dma_start3A_210 = tpu.memref_slice %arg10[%sub3A_160] : memref<2x!tpu.dma_semaphore, #tpu.memory_space<semaphore_mem>> -> memref<1x!tpu.dma_semaphore, #tpu.memory_space<semaphore_mem>>
        %dma_start3A_211 = tpu.memref_squeeze %dma_start3A_210 : memref<1x!tpu.dma_semaphore, #tpu.memory_space<semaphore_mem>> -> memref<!tpu.dma_semaphore, #tpu.memory_space<semaphore_mem>>
        tpu.enqueue_indirect_dma source(%dma_start3A_209 : memref<10000x128xbf16, #tpu.memory_space<hbm>>) target(%dma_start3A_203 : memref<128x128xbf16, #tpu.memory_space<vmem>>) offsets(%dma_start3A_206 : memref<128xi32, #tpu.memory_space<vmem>>) semaphore(%dma_start3A_211 : memref<!tpu.dma_semaphore, #tpu.memory_space<semaphore_mem>>)
        %mul3A_212 = arith.constant 2 : i32
        %mul3A_213 = arith.muli %mul3A_212, %add3A_159 : i32
        %add3A_214 = arith.constant 1 : i32
        %add3A_215 = arith.addi %mul3A_213, %add3A_214 : i32
        %dma_start3A_216 = arith.constant 1 : i32
        %dma_start3A_217 = arith.constant 128 : i32
        %dma_start3A_218 = arith.constant 0 : i32
        %dma_start3A_219 = tpu.memref_slice %arg8[%sub3A_160, %dma_start3A_217, %dma_start3A_218] : memref<2x256x128xbf16, #tpu.memory_space<vmem>> -> memref<1x128x128xbf16, #tpu.memory_space<vmem>>
        %dma_start3A_220 = tpu.memref_squeeze %dma_start3A_219 : memref<1x128x128xbf16, #tpu.memory_space<vmem>> -> memref<128x128xbf16, #tpu.memory_space<vmem>>
        %dma_start3A_221 = arith.constant 0 : i32
        %dma_start3A_222 = tpu.memref_slice %arg6[%dma_start3A_216, %add3A_215, %dma_start3A_221] : memref<2x80x128xi32, #tpu.memory_space<vmem>> -> memref<1x1x128xi32, #tpu.memory_space<vmem>>
        %dma_start3A_223 = tpu.memref_squeeze %dma_start3A_222 : memref<1x1x128xi32, #tpu.memory_space<vmem>> -> memref<128xi32, #tpu.memory_space<vmem>>
        %dma_start3A_224 = arith.constant 0 : i32
        %dma_start3A_225 = arith.constant 0 : i32
        %dma_start3A_226 = tpu.memref_slice %arg3[%dma_start3A_224, %dma_start3A_225] : memref<10000x128xbf16, #tpu.memory_space<hbm>> -> memref<10000x128xbf16, #tpu.memory_space<hbm>>
        %dma_start3A_227 = tpu.memref_slice %arg11[%sub3A_160] : memref<2x!tpu.dma_semaphore, #tpu.memory_space<semaphore_mem>> -> memref<1x!tpu.dma_semaphore, #tpu.memory_space<semaphore_mem>>
        %dma_start3A_228 = tpu.memref_squeeze %dma_start3A_227 : memref<1x!tpu.dma_semaphore, #tpu.memory_space<semaphore_mem>> -> memref<!tpu.dma_semaphore, #tpu.memory_space<semaphore_mem>>
        tpu.enqueue_indirect_dma source(%dma_start3A_226 : memref<10000x128xbf16, #tpu.memory_space<hbm>>) target(%dma_start3A_220 : memref<128x128xbf16, #tpu.memory_space<vmem>>) offsets(%dma_start3A_223 : memref<128xi32, #tpu.memory_space<vmem>>) semaphore(%dma_start3A_228 : memref<!tpu.dma_semaphore, #tpu.memory_space<semaphore_mem>>)
      } else {
      }
      %mul3A_154 = arith.constant 256 : i32
      %mul3A_155 = arith.muli %scan3A_78, %mul3A_154 : i32
      %parallel_loop3A = arith.constant 0 : i32
      %parallel_loop3A_156 = arith.constant 256 : i32
      %parallel_loop3A_157 = arith.constant 1 : i32
      scf.for %parallel_loop3A_158 = %parallel_loop3A to %parallel_loop3A_156 step %parallel_loop3A_157  : i32 {
        %parallel_loop3A_159 = arith.index_cast %rem3A_79 : i32 to index
        %parallel_loop3A_160 = arith.index_cast %parallel_loop3A_158 : i32 to index
        %parallel_loop3A_161 = arith.constant 0 : index
        %parallel_loop3A_162 = tpu.vector_load %arg7[%parallel_loop3A_159, %parallel_loop3A_160, %parallel_loop3A_161] {strides = array<i32>} : memref<2x256x128xbf16, #tpu.memory_space<vmem>>, vector<32xbf16>,
        %parallel_loop3A_163 = arith.index_cast %rem3A_79 : i32 to index
        %parallel_loop3A_164 = arith.index_cast %parallel_loop3A_158 : i32 to index
        %parallel_loop3A_165 = arith.constant 0 : index
        %parallel_loop3A_166 = tpu.vector_load %arg8[%parallel_loop3A_163, %parallel_loop3A_164, %parallel_loop3A_165] {strides = array<i32>} : memref<2x256x128xbf16, #tpu.memory_space<vmem>>, vector<32xbf16>,
        %parallel_loop3A_167 = arith.mulf %parallel_loop3A_162, %parallel_loop3A_166 : vector<32xbf16>
        %parallel_loop3A_168 = arith.index_cast %rem3A_79 : i32 to index
        %parallel_loop3A_169 = arith.index_cast %parallel_loop3A_158 : i32 to index
        %parallel_loop3A_170 = arith.constant 32 : index
        %parallel_loop3A_171 = tpu.vector_load %arg7[%parallel_loop3A_168, %parallel_loop3A_169, %parallel_loop3A_170] {strides = array<i32>} : memref<2x256x128xbf16, #tpu.memory_space<vmem>>, vector<32xbf16>,
        %parallel_loop3A_172 = arith.index_cast %rem3A_79 : i32 to index
        %parallel_loop3A_173 = arith.index_cast %parallel_loop3A_158 : i32 to index
        %parallel_loop3A_174 = arith.constant 32 : index
        %parallel_loop3A_175 = tpu.vector_load %arg8[%parallel_loop3A_172, %parallel_loop3A_173, %parallel_loop3A_174] {strides = array<i32>} : memref<2x256x128xbf16, #tpu.memory_space<vmem>>, vector<32xbf16>,
        %parallel_loop3A_176 = arith.mulf %parallel_loop3A_171, %parallel_loop3A_175 : vector<32xbf16>
        %parallel_loop3A_177 = arith.index_cast %rem3A_79 : i32 to index
        %parallel_loop3A_178 = arith.index_cast %parallel_loop3A_158 : i32 to index
        %parallel_loop3A_179 = arith.constant 64 : index
        %parallel_loop3A_180 = tpu.vector_load %arg7[%parallel_loop3A_177, %parallel_loop3A_178, %parallel_loop3A_179] {strides = array<i32>} : memref<2x256x128xbf16, #tpu.memory_space<vmem>>, vector<32xbf16>,
        %parallel_loop3A_181 = arith.index_cast %rem3A_79 : i32 to index
        %parallel_loop3A_182 = arith.index_cast %parallel_loop3A_158 : i32 to index
        %parallel_loop3A_183 = arith.constant 64 : index
        %parallel_loop3A_184 = tpu.vector_load %arg8[%parallel_loop3A_181, %parallel_loop3A_182, %parallel_loop3A_183] {strides = array<i32>} : memref<2x256x128xbf16, #tpu.memory_space<vmem>>, vector<32xbf16>,
        %parallel_loop3A_185 = arith.mulf %parallel_loop3A_180, %parallel_loop3A_184 : vector<32xbf16>
        %parallel_loop3A_186 = arith.index_cast %rem3A_79 : i32 to index
        %parallel_loop3A_187 = arith.index_cast %parallel_loop3A_158 : i32 to index
        %parallel_loop3A_188 = arith.constant 96 : index
        %parallel_loop3A_189 = tpu.vector_load %arg7[%parallel_loop3A_186, %parallel_loop3A_187, %parallel_loop3A_188] {strides = array<i32>} : memref<2x256x128xbf16, #tpu.memory_space<vmem>>, vector<32xbf16>,
        %parallel_loop3A_190 = arith.index_cast %rem3A_79 : i32 to index
        %parallel_loop3A_191 = arith.index_cast %parallel_loop3A_158 : i32 to index
        %parallel_loop3A_192 = arith.constant 96 : index
        %parallel_loop3A_193 = tpu.vector_load %arg8[%parallel_loop3A_190, %parallel_loop3A_191, %parallel_loop3A_192] {strides = array<i32>} : memref<2x256x128xbf16, #tpu.memory_space<vmem>>, vector<32xbf16>,
        %parallel_loop3A_194 = arith.mulf %parallel_loop3A_189, %parallel_loop3A_193 : vector<32xbf16>
        %parallel_loop3A_195 = arith.addf %parallel_loop3A_167, %parallel_loop3A_176 : vector<32xbf16>
        %parallel_loop3A_196 = arith.addf %parallel_loop3A_185, %parallel_loop3A_194 : vector<32xbf16>
        %parallel_loop3A_197 = arith.addf %parallel_loop3A_195, %parallel_loop3A_196 : vector<32xbf16>
        %parallel_loop3A_198 = tpu.unpack_subelements %parallel_loop3A_197, 0 {pack_format = #tpu.pack_format<interleaved>} : vector<32xbf16> -> vector<16xf32>
        %parallel_loop3A_199 = tpu.unpack_subelements %parallel_loop3A_197, 1 {pack_format = #tpu.pack_format<interleaved>} : vector<32xbf16> -> vector<16xf32>
        %parallel_loop3A_200 = arith.addf %parallel_loop3A_198, %parallel_loop3A_199 : vector<16xf32>
        %parallel_loop3A_201 = arith.constant true
        %parallel_loop3A_202 = vector.broadcast %parallel_loop3A_201 : i1 to vector<16xi1>
        %parallel_loop3A_203 = tpu.scan <sum>, %parallel_loop3A_200 masked %parallel_loop3A_202 : vector<16xf32>, vector<16xi1> -> vector<16xf32>
        %parallel_loop3A_204 = arith.addi %mul3A_155, %parallel_loop3A_158 : i32
        %parallel_loop3A_205 = vector.broadcast %parallel_loop3A_204 : i32 to vector<16xi32>
        tpu.vector_store_idx %arg9[%parallel_loop3A_205], %parallel_loop3A_203 masked %eq3A_2 : memref<10240xf32, #tpu.memory_space<vmem>>[vector<16xi32>], vector<16xf32>, vector<16xi1>
      } {sc.loop_unroll_factor = 8 : i64, sc.parallel_access}
    }
    %scan3A_70 = arith.constant 40 : i32
    %lt3A = arith.constant 31 : i32
    %lt3A_71 = arith.cmpi slt, %add3A, %lt3A : i32
    %convert_element_type3A = arith.extui %lt3A_71 : i1 to i32
    %cond3A = arith.constant 0 : i32
    %cond3A_72 = arith.cmpi ne, %convert_element_type3A, %cond3A : i32
    scf.if %cond3A_72 {
      %mul3A_78 = arith.constant 10240 : i32
      %mul3A_79 = arith.muli %add3A, %mul3A_78 : i32
      "tpu.region"() ({
        %run_scoped3A = tpu.sem_alloc : memref<!tpu.dma_semaphore, #tpu.memory_space<semaphore_mem>>
        %dma_start3A_80 = tpu.memref_slice %arg5[%mul3A_79] : memref<320000xf32, #tpu.memory_space<hbm>> -> memref<10240xf32, #tpu.memory_space<hbm>>
        %dma_start3A_81 = tpu.memref_slice %arg5[%mul3A_79] : memref<320000xf32, #tpu.memory_space<hbm>> -> memref<10240xf32, #tpu.memory_space<hbm>>
        tpu.enqueue_dma source(%arg9 : memref<10240xf32, #tpu.memory_space<vmem>>) target(%dma_start3A_81 : memref<10240xf32, #tpu.memory_space<hbm>>) target_semaphore(%run_scoped3A : memref<!tpu.dma_semaphore, #tpu.memory_space<semaphore_mem>>)
        %dma_wait3A = tpu.memref_slice %arg5[%mul3A_79] : memref<320000xf32, #tpu.memory_space<hbm>> -> memref<10240xf32, #tpu.memory_space<hbm>>
        %dma_wait3A_82 = tpu.memref_slice %arg5[%mul3A_79] : memref<320000xf32, #tpu.memory_space<hbm>> -> memref<10240xf32, #tpu.memory_space<hbm>>
        tpu.wait_dma2 semaphore(%run_scoped3A : memref<!tpu.dma_semaphore, #tpu.memory_space<semaphore_mem>>) src(%arg9 : memref<10240xf32, #tpu.memory_space<vmem>>) dst(%dma_wait3A_82 : memref<10240xf32, #tpu.memory_space<hbm>>)
        tpu.yield
      }) : () -> ()
    } else {
    }
    %eq3A_73 = arith.constant 31 : i32
    %eq3A_74 = arith.cmpi eq, %add3A, %eq3A_73 : i32
    %convert_element_type3A_75 = arith.extui %eq3A_74 : i1 to i32
    %cond3A_76 = arith.constant 0 : i32
    %cond3A_77 = arith.cmpi ne, %convert_element_type3A_75, %cond3A_76 : i32
    scf.if %cond3A_77 {
      "tpu.region"() ({
        %run_scoped3A = tpu.sem_alloc : memref<!tpu.dma_semaphore, #tpu.memory_space<semaphore_mem>>
        %dma_start3A_78 = arith.constant 0 : i32
        %dma_start3A_79 = tpu.memref_slice %arg9[%dma_start3A_78] : memref<10240xf32, #tpu.memory_space<vmem>> -> memref<2560xf32, #tpu.memory_space<vmem>>
        %dma_start3A_80 = arith.constant 317440 : i32
        %dma_start3A_81 = tpu.memref_slice %arg5[%dma_start3A_80] : memref<320000xf32, #tpu.memory_space<hbm>> -> memref<2560xf32, #tpu.memory_space<hbm>>
        %dma_start3A_82 = arith.constant 317440 : i32
        %dma_start3A_83 = tpu.memref_slice %arg5[%dma_start3A_82] : memref<320000xf32, #tpu.memory_space<hbm>> -> memref<2560xf32, #tpu.memory_space<hbm>>
        %dma_start3A_84 = arith.constant 0 : i32
        %dma_start3A_85 = tpu.memref_slice %arg9[%dma_start3A_84] : memref<10240xf32, #tpu.memory_space<vmem>> -> memref<2560xf32, #tpu.memory_space<vmem>>
        tpu.enqueue_dma source(%dma_start3A_85 : memref<2560xf32, #tpu.memory_space<vmem>>) target(%dma_start3A_83 : memref<2560xf32, #tpu.memory_space<hbm>>) target_semaphore(%run_scoped3A : memref<!tpu.dma_semaphore, #tpu.memory_space<semaphore_mem>>)
        %dma_wait3A = arith.constant 0 : i32
        %dma_wait3A_86 = tpu.memref_slice %arg9[%dma_wait3A] : memref<10240xf32, #tpu.memory_space<vmem>> -> memref<2560xf32, #tpu.memory_space<vmem>>
        %dma_wait3A_87 = arith.constant 317440 : i32
        %dma_wait3A_88 = tpu.memref_slice %arg5[%dma_wait3A_87] : memref<320000xf32, #tpu.memory_space<hbm>> -> memref<2560xf32, #tpu.memory_space<hbm>>
        %dma_wait3A_89 = arith.constant 317440 : i32
        %dma_wait3A_90 = tpu.memref_slice %arg5[%dma_wait3A_89] : memref<320000xf32, #tpu.memory_space<hbm>> -> memref<2560xf32, #tpu.memory_space<hbm>>
        %dma_wait3A_91 = arith.constant 0 : i32
        %dma_wait3A_92 = tpu.memref_slice %arg9[%dma_wait3A_91] : memref<10240xf32, #tpu.memory_space<vmem>> -> memref<2560xf32, #tpu.memory_space<vmem>>
        tpu.wait_dma2 semaphore(%run_scoped3A : memref<!tpu.dma_semaphore, #tpu.memory_space<semaphore_mem>>) src(%dma_wait3A_92 : memref<2560xf32, #tpu.memory_space<vmem>>) dst(%dma_wait3A_90 : memref<2560xf32, #tpu.memory_space<hbm>>)
        tpu.yield
      }) : () -> ()
    } else {
    }
    return
  }
}

</mosaic_0001>

<sc_bundles>
// kernel: kernel.3.cloned.1.call-start
scs
__scs_entry_jumppad:
0x0: {  	(pc) =	sbr.rel $0x88, $3  }
0x1: {  	(tag) =	ssettag $0x0;
	lr =	simm.s32 $0x1  }
0x2: {  	[smem:$0x3F9E] =	sst lr;
	_ =	strace $0xD0000000  }
0x3: {  	_ = 	snop  }
0x4: {  	_ = 	snop  }
0x5: {  	_ = 	snop  }
0x6: {  	_ = 	snop  }
0x7: {  	_ = 	snop  }
__scs_overlays_trampoline_lowered:
0x8: {  	[smem:$0x3FAD] =	sst s0  }
0x9: {  	[smem:$0x3FAE] =	sst s1  }
0xa: {  	[smem:$0x3FAF] =	sst s2  }
0xb: {  	[smem:$0x3FB0] =	sst s3  }
0xc: {  	[smem:$0x3FB1] =	sst s4  }
0xd: {  	[smem:$0x3FB2] =	sst s5  }
0xe: {  	[smem:$0x3FB3] =	sst s6  }
0xf: {  	[smem:$0x3FB4] =	sst s7  }
0x10: {  	[smem:$0x3FB5] =	sst s8  }
0x11: {  	[smem:$0x3FB6] =	sst s9;
	s0 =	simm.s32 @!p0 $0x0  }
0x12: {  	s1 =	sld [smem:$0x3F9C];
	s0 =	simm.s32 @p0 $0x1  }
0x13: {  	[smem:$0x3FB7] =	sst s0;
	s0 =	simm.s32 @!p1 $0x0  }
0x14: {  	s2 =	sld [smem:$0x3F9B];
	s0 =	simm.s32 @p1 $0x1  }
0x15: {  	[smem:$0x3FB8] =	sst s0;
	s0 =	simm.s32 @!p2 $0x0  }
0x16: {  	s3 =	sld [smem:$0x3FDB];
	s0 =	simm.s32 @p2 $0x1  }
0x17: {  	s4 =	simm.s32 $0x1BF5;
	[smem:$0x3FBA] =	sst s0  }
0x18: {  	s0 =	sld [smem:$0x3F9D];
	_ =	swait.ge [sflag:s4], $0x0  }
0x19: {  	s7 =	sld [smem:$0x3F9E]  }
0x1a: {  	s8 =	sadd.s32 $0xFFFFE003, lr  }
0x1b: {  	s9 =	sadd.s32 $0xFFFFFEF7, lr;
	s5 =	simm.s32 $0xFFFFFFFF;
	p2 =	slt.u32 s8, $0xFFFFF086  }
0x1c: {  	p1 =	slt.u32 s9, $0xF7A;
	s5 =	simm.s32 @!p2 $0x0  }
0x1d: {  	s5 =	simm.s32 @p1 $0x1;
	p0 =	seq.s32 s7, s2  }
0x1e: {  	s7 =	smul.u32 @!p0 $0xF7A, s2;
	p2 =	seq.s32 @!p0 s5, $0x0  }
0x1f: {  	s9 =	smul.u32 $0xF7A, s1;
	s8 =	simm.s32 @!p0 $0x1BF5;
	p2 =	por !p2, p0  }
0x20: {  	[sflag:s8] =	ssyncset.s32 @!p0 $0xFFFFF086;
	s6 =	sadd.s32 @!p0 s3, s7;
	s7 =	simm.s32 @!p0 $0x108  }
0x21: {  	s3 =	sadd.s32 s3, s9;
	s6 =	sadd.s32 @!p0 $0x88, s6;
	s7 =	simm.s32 @p2 $0x1082  }
0x22: {  	[simem:s7], [sflag:s8] =	dma.local @!p0 [hbm:s6], $0xF7A  }
0x23: {  	s9 =	sor.u32 $0xD0000000, s2;
	s6 =	simm.s32 $0x108;
	_ =	swait.ge @!p0 [sflag:s8], $0x0  }
0x24: {  	s3 =	sadd.s32 $0x88, s3;
	s6 =	simm.s32 @!p1 $0x1082;
	[sflag:s4] =	ssyncset.s32 $0xFFFFF086  }
0x25: {  	[simem:s6], [sflag:s4] =	dma.local [hbm:s3], $0xF7A  }
0x26: {  	[smem:$0x3F9E] =	sst s1;
	(tag) =	ssettag s2;
	_ =	strace s9  }
0x27: {  	s1 =	sld [smem:$0x3FAE]  }
0x28: {  	s2 =	sld [smem:$0x3FAF]  }
0x29: {  	s4 =	sld [smem:$0x3FB1]  }
0x2a: {  	p0 =	seq.s32 s5, $0x0;
	s5 =	sld [smem:$0x3FB2]  }
0x2b: {  	s6 =	sld [smem:$0x3FB3]  }
0x2c: {  	s7 =	sld [smem:$0x3FB4]  }
0x2d: {  	s3 =	simm.s32 $0x108;
	s8 =	sld [smem:$0x3FB5]  }
0x2e: {  	s3 =	simm.s32 @!p0 $0x1082;
	s9 =	sld [smem:$0x3FB6]  }
0x2f: {  	lr =	sadd.s32 s0, s3;
	s0 =	sld [smem:$0x3FAD]  }
0x30: {  	s3 =	sld [smem:$0x3FB0]  }
0x31: {  	[smem:$0x3FB9] =	sst s10  }
0x32: {  	s10 =	sld [smem:$0x3FB7];
	_ =	sdelay $0x3  }
0x33: {  	p0 =	seq.s32 s10, $0x1;
	s10 =	sld [smem:$0x3FB9];
	_ =	sdelay $0x3  }
0x34: {  	[smem:$0x3FB9] =	sst s10  }
0x35: {  	s10 =	sld [smem:$0x3FB8];
	_ =	sdelay $0x3  }
0x36: {  	p1 =	seq.s32 s10, $0x1;
	s10 =	sld [smem:$0x3FB9];
	_ =	sdelay $0x3  }
0x37: {  	[smem:$0x3FB9] =	sst s10  }
0x38: {  	s10 =	sld [smem:$0x3FBA]  }
0x39: {  	_ = 	snop;
	(pc) =	sbr.ind lr, $3  }
0x3a: {  	_ = 	snop  }
0x3b: {  	_ = 	snop  }
0x3c: {  	p2 =	seq.s32 s10, $0x1;
	s10 =	sld [smem:$0x3FB9]  }
0x3d: {  	_ =	shalt  }
0x3e: {  	_ =	shalt  }
0x3f: {  	_ =	shalt  }
0x40: {  	_ =	shalt  }
0x41: {  	_ =	shalt  }
0x42: {  	_ =	shalt  }
0x43: {  	_ =	shalt  }
0x44: {  	_ =	shalt  }
0x45: {  	_ =	shalt  }
0x46: {  	_ =	shalt  }
0x47: {  	_ =	shalt  }
0x48: {  	_ =	shalt  }
0x49: {  	_ =	shalt  }
0x4a: {  	_ =	shalt  }
0x4b: {  	_ =	shalt  }
0x4c: {  	_ =	shalt  }
0x4d: {  	_ =	shalt  }
0x4e: {  	_ =	shalt  }
0x4f: {  	_ =	shalt  }
0x50: {  	_ =	shalt  }
0x51: {  	_ =	shalt  }
0x52: {  	_ =	shalt  }
0x53: {  	_ =	shalt  }
0x54: {  	_ =	shalt  }
0x55: {  	_ =	shalt  }
0x56: {  	_ =	shalt  }
0x57: {  	_ =	shalt  }
0x58: {  	_ =	shalt  }
0x59: {  	_ =	shalt  }
0x5a: {  	_ =	shalt  }
0x5b: {  	_ =	shalt  }
0x5c: {  	_ =	shalt  }
0x5d: {  	_ =	shalt  }
0x5e: {  	_ =	shalt  }
0x5f: {  	_ =	shalt  }
0x60: {  	_ =	shalt  }
0x61: {  	_ =	shalt  }
0x62: {  	_ =	shalt  }
0x63: {  	_ =	shalt  }
0x64: {  	_ =	shalt  }
0x65: {  	_ =	shalt  }
0x66: {  	_ =	shalt  }
0x67: {  	_ =	shalt  }
0x68: {  	_ =	shalt  }
0x69: {  	_ =	shalt  }
0x6a: {  	_ =	shalt  }
0x6b: {  	_ =	shalt  }
0x6c: {  	_ =	shalt  }
0x6d: {  	_ =	shalt  }
0x6e: {  	_ =	shalt  }
0x6f: {  	_ =	shalt  }
0x70: {  	_ =	shalt  }
0x71: {  	_ =	shalt  }
0x72: {  	_ =	shalt  }
0x73: {  	_ =	shalt  }
0x74: {  	_ =	shalt  }
0x75: {  	_ =	shalt  }
0x76: {  	_ =	shalt  }
0x77: {  	_ =	shalt  }
0x78: {  	_ =	shalt  }
0x79: {  	_ =	shalt  }
0x7a: {  	_ =	shalt  }
0x7b: {  	_ =	shalt  }
0x7c: {  	_ =	shalt  }
0x7d: {  	_ =	shalt  }
0x7e: {  	_ =	shalt  }
0x7f: {  	_ =	shalt  }
0x80: {  	_ =	shalt  }
0x81: {  	_ =	shalt  }
0x82: {  	_ =	shalt  }
0x83: {  	_ =	shalt  }
0x84: {  	_ =	shalt  }
0x85: {  	_ =	shalt  }
0x86: {  	_ =	shalt  }
0x87: {  	_ =	shalt  }
.Lfunc_end0:
.L_simem_size_0:
called_computation_lowered:
.L_overlay_start_0:
0x88: {  	s2 =	sld [smem:$0x3FD9]  }
0x89: {  	s3 =	sld [smem:$0x3FFE];
	_ =	sdelay $0x1  }
0x8a: {  	s1 =	srdreg.scid  }
0x8b: {  	s0 =	sand.u32 $0x1, s1  }
0x8c: {  	s17 =	sshll.u32 s0, $0xA;
	s2 =	sadd.s32 s3, s2  }
0x8d: {  	s2 =	sadd.s32 s2, s17  }
0x8e: {  	[smem:$0x3FC5] =	sst s2  }
0x8f: {  	_ = 	snop  }
0x90: {  	s2 =	sld [smem:$0x3FD0];
	(tm) =	ssettm $0x1  }
0x91: {  	s18 =	sld [smem:$0x3FFB];
	_ =	sdelay $0x3  }
0x92: {  	_ =	strace s18  }
0x93: {  	s3 =	sld [smem:$0x3FFC];
	_ =	sdelay $0x3  }
0x94: {  	_ =	strace s3  }
0x95: {  	s3 =	sld [smem:$0x3FFD];
	_ =	sdelay $0x3  }
0x96: {  	_ =	strace s3  }
0x97: {  	_ =	strace $0x8FFFFFFF  }
0x98: {  	s19 =	sld [smem:$0x3FDB];
	_ =	sdelay $0x1  }
0x99: {  	s4 =	simm.s32 $_scs_section_size  }
0x9a: {  	s5 =	simm.s32 $_size__tile_overlayer_lowered;
	s6 =	simm.s32 $_tile_overlayer_lowered  }
0x9b: {  	s22 =	simm.s32 $0x1BFF;
	s21 =	sshll.u32 s6, $0x1;
	s3 =	sadd.s32 s4, s19  }
0x9c: {  	s7 =	simm.s32 $0x0;
	s20 =	sshll.u32 s5, $0x1;
	s5 =	sadd.s32 s21, s3  }
0x9d: {  	[timem:s7], [sflag:s22] =	dma.local [hbm:s5], s20  }
0x9e: {  	_ =	swait.ge [sflag:s22], s20  }
0x9f: {  	s4 =	ssub.s32 $0x0, s20;
	[sflag:s22] =	ssyncset.done $0x0  }
0xa0: {  	[sflag:s22] =	ssyncadd.s32 s4;
	_ =	sdelay $0x1  }
0xa1: {  	s23 =	simm.s32 $0x1B8B  }
0xa2: {  	_ =	swait.ge [sflag:s23], $0x1  }
0xa3: {  	[sflag:s23] =	ssyncset.done $0x0  }
0xa4: {  	s25 =	simm.s32 $0x1B8E;
	s24 =	sld [smem:$0x3FFE];
	[sflag:s23] =	ssyncadd.s32 $0xFFFFFFFF  }
0xa5: {  	s26 =	simm.s32 $execute0_lowered;
	[smem:$0x3FD2] =	sst s25  }
0xa6: {  	s5 =	sshll.u32 s26, $0x1;
	_ =	strace $0x80000046;
	[dreg:$0x1] =	wrdreg $0xFFFFFFFF  }
0xa7: {  	s28 =	simm.s32 $_size_execute0_lowered;
	s3 =	sadd.s32 s3, s5;
	[dreg:$0x0] =	wrdreg $0x0  }
0xa8: {  	s5 =	sshll.u32 s28, $0x1;
	[dreg:$0x2] =	wrdreg s3  }
0xa9: {  	[dreg:$0x3] =	wrdreg s5  }
0xaa: {  	[dreg:$0x4] =	wrdreg $0xC0  }
0xab: {  	_ =	task [dreg:s7], $0x5FFFF  }
0xac: {  	[dreg:$0x1] =	wrdreg $0xFFFFFFFF  }
0xad: {  	[dreg:$0x0] =	wrdreg $0x60  }
0xae: {  	[dreg:$0x2] =	wrdreg s24  }
0xaf: {  	[dreg:$0x3] =	wrdreg s2  }
0xb0: {  	[dreg:$0x4] =	wrdreg $0x9  }
0xb1: {  	_ =	task.clear_ibuf [dreg:s7], $0x5FFFF;
	_ =	strace $0x90000046  }
0xb2: {  	s29 =	simm.s32 $0x9;
	_ =	strace $0x80000048  }
0xb3: {  	_ =	swait.ge [sflag:s29], $0x1  }
0xb4: {  	[sflag:s29] =	ssyncadd.s32 $0xFFFFFFFF  }
0xb5: {  	_ =	strace $0x90000048  }
0xb6: {  	_ =	sfence  }
0xb7: {  	s30 =	sld [smem:$0x0];
	_ =	sdelay $0x2  }
0xb8: {  	s31 =	sshll.u32 s1, $0xD;
	s1 =	sshrl.u32 s1, $0x2  }
0xb9: {  	s3 =	sand.u32 $0x4000, s31;
	s1 =	sadd.s32 s1, s30  }
0xba: {  	s0 =	sor.u32 s3, s0;
	s1 =	sshll.u32 s1, $0x11  }
0xbb: {  	s0 =	sor.u32 s1, s0  }
0xbc: {  	s0 =	sadd.s32 $0x8F2B, s0  }
0xbd: {  	[sflag:s0] =	ssyncadd.remote.s32 $0x1  }
0xbe: {  	_ =	sfence.sel $0xFFFF  }
0xbf: {  	[dreg:$0x0] =	wrdreg $0xFFFFFFFF;
	(pc) =	sbr.abs _section_cstart, $3  }
0xc0: {  	[dreg:$0x1] =	wrdreg $0xFFFFFFFF  }
0xc1: {  	_ =	task.clear_ibuf [dreg:s7], $0x2FFFF;
	_ =	strace $0x9FFFFFFF  }
0xc2: {  	(tm) =	ssettm $0x7FFFFFFF  }
0xc3: {  	_ =	shalt  }
tec
execute0_lowered:
.L_overlay_start_1:
0x0: {  	(tag) =	ssettag $0x1  }
0x1: {  	s4 =	rddreg [dreg:$0x0];
	s1 =	srdreg.scid  }
0x2: {  	s0 =	stileid.u32;
	s7 =	rddreg [dreg:$0x1]  }
0x3: {  	s2 =	simm.s32 $0x0;
	s10 =	simm.s32 $0x50000;
	s11 =	simm.s32 $0x5  }
0x4: {  	s12 =	simm.s32 $0x80;
	s13 =	simm.s32 $0x5000;
	s14 =	simm.s32 $0xD000  }
0x5: {  	s15 =	simm.s32 $0x7000;
	s16 =	simm.s32 $0x2880;
	s17 =	simm.s32 $0xF000  }
0x6: {  	v0 =	vimm.s32 $0x0;
	vm0 =	vcmask $0x300;
	s3 =	sand.u32 $0x1, s1;
	s5 =	sshll.u32 s0, $0x1;
	s1 =	rddreg [dreg:$0x2]  }
0x7: {  	s18 =	simm.s32 $0x15000;
	[smem:$0x7FF] =	sst s2;
	v0 =	vsel vm0, $0x3, v0;
	vm0 =	vcmask $0x3F3C;
	s19 =	sor.u32 s3, s5  }
0x8: {  	_ =	strace $0x80000047;
	s31 =	ssub.s32 $0x2, s3;
	s6 =	smul.u32 $0x500, s19  }
0x9: {  	s3 =	sadd.s32 $0x14E00, s4;
	s9 =	sshrl.u32 s31, $0x1;
	p0 =	seq.s32 s19, $0x1F  }
0xa: {  	s19 =	simm.s32 $0x0;
	s9 =	ssub.s32 s31, s9;
	s8 =	sadd.s32 s6, s4  }
0xb: {  	s4 =	sadd.s32 $0x28800, s4;
	s6 =	sadd.s32 s7, s6;
	s7 =	sadd.s32 $0x9B00, s7  }
0xc: {  	s5 =	sadd.s32 $0xE00, s8;
	s8 =	smax.u32 s9, $0x1;
	s9 =	simm.s32 $0x2800  }
.LBB2_1:
0xd: {  	[tilespmem:s2], [sflag:$0x5] =	stream.strided.gather [hbm4b:s5+s9], $0x5000, s10, s9, $0x38;
	[tilespmem:$0x17800] =	vst v63  }
0xe: {  	_ =	swait.ge [sflag:s11], $0x5000  }
0xf: {  	[sflag:s11] =	ssyncset.done $0x0  }
0x10: {  	[sflag:s11] =	ssyncadd.s32 $0xFFFFB000  }
0x11: {  	[tilespmem:s13], [sflag:$0x1] =	stream.indirect.gather [hbm4b:s3+s12], $0x40, s2, s12, $0xb8;
	[tilespmem:$0x17800] =	vst v63  }
0x12: {  	_ = 	snop  }
0x13: {  	[tilespmem:s14], [sflag:$0x3] =	stream.indirect.gather [hbm4b:s4+s12], $0x40, s9, s12, $0xb8;
	[tilespmem:$0x17800] =	vst v63  }
0x14: {  	_ = 	snop  }
0x15: {  	[tilespmem:s15], [sflag:$0x1] =	stream.indirect.gather [hbm4b:s3+s12], $0x40, s12, s12, $0xb8;
	[tilespmem:$0x17800] =	vst v63  }
0x16: {  	p1 =	por $0x0, $0x0;
	s20 =	simm.s32 $0x0;
	s21 =	simm.s32 $0x0  }
0x17: {  	[tilespmem:s17], [sflag:$0x3] =	stream.indirect.gather [hbm4b:s4+s12], $0x40, s16, s12, $0xb8;
	[tilespmem:$0x17800] =	vst v63  }
.LBB2_3:
0x18: {  	s22 =	sand.u32 $0x1, s21  }
0x19: {  	s23 =	sadd.s32 $0x1, s22  }
0x1a: {  	_ =	swait.ge [sflag:s23], $0x2000  }
0x1b: {  	[sflag:s23] =	ssyncset.done $0x0  }
0x1c: {  	s24 =	sadd.s32 $0x3, s22;
	[sflag:s23] =	ssyncadd.s32 $0xFFFFE000  }
0x1d: {  	_ =	swait.ge [sflag:s24], $0x2000  }
0x1e: {  	[sflag:s24] =	ssyncset.done $0x0  }
0x1f: {  	[sflag:s24] =	ssyncadd.s32 $0xFFFFE000  }
0x20: {  	s25 =	simm.s32 $0x1;
	_ =	swait.ge [sflag:s23], $0x2000  }
0x21: {  	p2 =	seq.s32 s21, $0x27;
	s21 =	sadd.s32 $0x1, s21;
	[sflag:s23] =	ssyncset.done $0x0  }
0x22: {  	s25 =	simm.s32 @!p1 $0x0;
	s22 =	sxor.u32 @!p2 $0x1, s22;
	[sflag:s23] =	ssyncadd.s32 $0xFFFFE000  }
0x23: {  	s26 =	sshll.u32 @!p2 s21, $0x8;
	s29 =	simm.s32 @!p2 $0x80;
	_ =	swait.ge [sflag:s24], $0x2000  }
0x24: {  	s26 =	sand.u32 @!p2 $0x3FFFFF00, s26;
	s23 =	sshll.u32 @!p2 s22, $0xE;
	[sflag:s24] =	ssyncset.done $0x0  }
0x25: {  	s28 =	sadd.s32 @!p2 $0x1, s22;
	[sflag:s24] =	ssyncadd.s32 $0xFFFFE000;
	s24 =	sadd.s32 @!p2 $0x5000, s23  }
0x26: {  	[tilespmem:s24], [sflag:s28] =	stream.indirect.gather @!p2 [hbm4b:s3+s29], $0x40, s26, s29, $0xb8;
	[tilespmem:$0x17800] =	vst v63  }
0x27: {  	s30 =	sadd.s32 @!p2 $0x2800, s26;
	s22 =	sadd.s32 @!p2 $0x3, s22;
	s24 =	sadd.s32 @!p2 $0xD000, s23  }
0x28: {  	[tilespmem:s24], [sflag:s22] =	stream.indirect.gather @!p2 [hbm4b:s4+s29], $0x40, s30, s29, $0xb8;
	[tilespmem:$0x17800] =	vst v63  }
0x29: {  	s25 =	sshll.u32 s25, $0xE;
	s24 =	sadd.s32 @!p2 $0x7000, s23;
	s30 =	sor.u32 @!p2 $0x80, s26  }
0x2a: {  	[tilespmem:s24], [sflag:s28] =	stream.indirect.gather @!p2 [hbm4b:s3+s29], $0x40, s30, s29, $0xb8;
	[tilespmem:$0x17800] =	vst v63  }
0x2b: {  	s23 =	sadd.s32 @!p2 $0xF000, s23;
	s26 =	sadd.s32 @!p2 $0x2880, s26;
	s24 =	sadd.s32 $0x5100, s25  }
0x2c: {  	[tilespmem:s23], [sflag:s22] =	stream.indirect.gather @!p2 [hbm4b:s4+s29], $0x40, s26, s29, $0xb8;
	[tilespmem:$0x17800] =	vst v63  }
0x2d: {  	s22 =	sadd.s32 $0xD100, s25;
	v2 =	vld [tilespmem:s24+$0xC0]  }
0x2e: {  	v3 =	vld [tilespmem:s22+$0xC0]  }
0x2f: {  	v4 =	vld [tilespmem:s24+$0xD0]  }
0x30: {  	v5 =	vld [tilespmem:s22+$0xD0]  }
0x31: {  	v6 =	vld [tilespmem:s24+$0xE0]  }
0x32: {  	v7 =	vld [tilespmem:s22+$0xE0]  }
0x33: {  	v8 =	vld [tilespmem:s24+$0xF0]  }
0x34: {  	v9 =	vld [tilespmem:s22+$0xF0]  }
0x35: {  	v10 =	vld [tilespmem:s24+$0xFFFFFF10]  }
0x36: {  	v11 =	vld [tilespmem:s22+$0xFFFFFF10]  }
0x37: {  	v12 =	vld [tilespmem:s24+$0xFFFFFF20]  }
0x38: {  	v13 =	vld [tilespmem:s22+$0xFFFFFF20]  }
0x39: {  	v14 =	vld [tilespmem:s24+$0xFFFFFF30]  }
0x3a: {  	v15 =	vld [tilespmem:s22+$0xFFFFFF30]  }
0x3b: {  	v16 =	vld [tilespmem:s24+$0xFFFFFF40]  }
0x3c: {  	v17 =	vld [tilespmem:s22+$0xFFFFFF40]  }
0x3d: {  	v18 =	vld [tilespmem:s24+$0xFFFFFF50]  }
0x3e: {  	v19 =	vld [tilespmem:s22+$0xFFFFFF50]  }
0x3f: {  	v20 =	vld [tilespmem:s24+$0xFFFFFF60]  }
0x40: {  	v21 =	vld [tilespmem:s22+$0xFFFFFF60]  }
0x41: {  	v22 =	vld [tilespmem:s24+$0xFFFFFF70]  }
0x42: {  	v23 =	vld [tilespmem:s22+$0xFFFFFF70]  }
0x43: {  	v24 =	vld [tilespmem:s24+$0xFFFFFF80]  }
0x44: {  	v25 =	vld [tilespmem:s22+$0xFFFFFF80]  }
0x45: {  	v26 =	vld [tilespmem:s24+$0xFFFFFF90]  }
0x46: {  	v27 =	vld [tilespmem:s24+$0xFFFFFFC0]  }
0x47: {  	v44 =	vld [tilespmem:s22+$0xFFFFFFE0]  }
0x48: {  	v2 =	vmul.bf16 v3, v2;
	v3 =	vmul.bf16 v5, v4;
	v5 =	vld [tilespmem:s22+$0xFFFFFF90]  }
0x49: {  	v4 =	vmul.bf16 v7, v6;
	v6 =	vmul.bf16 v9, v8;
	v7 =	vld [tilespmem:s24+$0xFFFFFFA0]  }
0x4a: {  	s23 =	sadd.s32 $0xFFFFFFF8, s20;
	v8 =	vld [tilespmem:s22+$0xFFFFFFA0]  }
0x4b: {  	s26 =	sadd.s32 $0xB, s23;
	v47 =	vld [tilespmem:s24+$0xFFFFFFF0];
	v2 =	vadd.bf16 v3, v2;
	v3 =	vadd.bf16 v6, v4  }
0x4c: {  	v46 =	vmov s26;
	v9 =	vld [tilespmem:s22+$0xFFFFFFB0]  }
0x4d: {  	v43 =	vmul.bf16 v23, v22;
	v45 =	vmul.bf16 v25, v24;
	v6 =	vld [tilespmem:s24+$0xFFFFFFB0];
	v4 =	vadd.bf16 v3, v2  }
0x4e: {  	v48 =	vld [tilespmem:s24+$0x0];
	v23 =	vshrl.u32 v46, $0x3;
	v2 =	vmul.bf16 v11, v10;
	v3 =	vmul.bf16 v13, v12  }
0x4f: {  	v52 =	vld [tilespmem:s22+$0x20];
	v5 =	vmul.bf16 v5, v26;
	v7 =	vmul.bf16 v8, v7;
	v11 =	vunpack.i.u.bf16.f32 v4  }
0x50: {  	v10 =	vld [tilespmem:s22+$0xFFFFFFC0];
	v12 =	vunpack.i.l.bf16.f32 v4;
	v4 =	vmul.bf16 v15, v14;
	v14 =	vmul.bf16 v19, v18  }
0x51: {  	s29 =	sadd.s32 $0x9, s23;
	s30 =	sadd.s32 $0xA, s23;
	v13 =	vld [tilespmem:s24+$0xFFFFFFD0];
	v18 =	vmul.bf16 v21, v20;
	v11 =	vadd.f32 v12, v11;
	v12 =	vmul.bf16 v17, v16  }
0x52: {  	v8 =	vld [tilespmem:s22+$0xFFFFFFF0];
	v16 =	vmov s29;
	v17 =	vmov s30;
	s29 =	sadd.s32 $0xC, s23;
	v6 =	vmul.bf16 v9, v6  }
0x53: {  	v15 =	vld [tilespmem:s22+$0xFFFFFFD0];
	s30 =	sadd.s32 $0xD, s23;
	v5 =	vadd.bf16 v5, v45;
	v9 =	vmov s29;
	v18 =	vadd.bf16 v43, v18  }
0x54: {  	s31 =	sadd.s32 $0xF, s23;
	v19 =	vld [tilespmem:s24+$0xFFFFFFE0];
	v49 =	vmov s30;
	v16 =	vshrl.u32 v16, $0x3;
	v17 =	vshrl.u32 v17, $0x3  }
0x55: {  	v54 =	vld [tilespmem:s24+$0x40];
	v12 =	vadd.bf16 v14, v12;
	v14 =	vmov s31;
	v6 =	vadd.bf16 v6, v7  }
0x56: {  	v55 =	vld [tilespmem:s24+$0x50];
	s31 =	sadd.s32 $0xE, s23;
	v10 =	vmul.bf16 v10, v27;
	v9 =	vshrl.u32 v9, $0x3;
	v22 =	vshrl.u32 v49, $0x3  }
0x57: {  	v7 =	vld [tilespmem:s22+$0x0];
	v16 =	vshll.u32 v16, v0;
	v14 =	vshrl.u32 v14, $0x3;
	v50 =	vmov s31  }
0x58: {  	s23 =	sadd.s32 $0x8, s23;
	v8 =	vmul.bf16 v8, v47;
	v12 =	vadd.bf16 v18, v12;
	v18 =	vld [tilespmem:s24+$0x10];
	v13 =	vmul.bf16 v15, v13  }
0x59: {  	(xrf2) =	vadd.scan.msk.f32 $0xffff, v11;
	v11 =	vmov s23;
	v5 =	vadd.bf16 v6, v5;
	v6 =	vld [tilespmem:s22+$0x10];
	v15 =	vmul.bf16 v44, v19  }
0x5a: {  	v19 =	vld [tilespmem:s24+$0x20];
	v51 =	vunpack.i.u.bf16.f32 v12;
	v12 =	vunpack.i.l.bf16.f32 v12;
	v10 =	vadd.bf16 v13, v10  }
0x5b: {  	v9 =	vshll.u32 v9, v0;
	v13 =	vld [tilespmem:s24+$0x30];
	v8 =	vadd.bf16 v8, v15;
	v12 =	vadd.f32 v12, v51  }
0x5c: {  	v16 =	vadd.s32 $0x1, v16;
	v14 =	vshll.u32 v14, v0;
	v25 =	vshrl.u32 v50, $0x3;
	v15 =	vld [tilespmem:s22+$0x30]  }
0x5d: {  	v56 =	vld [tilespmem:s22+$0x60];
	v11 =	vshrl.u32 v11, $0x3;
	v14 =	vadd.s32 $0x7, v14;
	v8 =	vadd.bf16 v8, v10;
	(xrf2) =	vadd.scan.msk.f32 $0xffff, v12  }
0x5e: {  	v58 =	vld [tilespmem:s24+$0x70];
	v14 =	vbroadcast v14, $0x0;
	v53 =	vunpack.i.u.bf16.f32 v5;
	v5 =	vunpack.i.l.bf16.f32 v5  }
0x5f: {  	v5 =	vadd.f32 v5, v53;
	v10 =	vld [tilespmem:s22+$0x40];
	v12 =	vunpack.i.u.bf16.f32 v8;
	v8 =	vunpack.i.l.bf16.f32 v8  }
0x60: {  	v7 =	vmul.bf16 v7, v48;
	v6 =	vmul.bf16 v6, v18;
	v8 =	vadd.f32 v8, v12;
	v12 =	vld [tilespmem:s24+$0x60]  }
0x61: {  	v19 =	vmul.bf16 v52, v19;
	(xrf2) =	vadd.scan.msk.f32 $0xffff, v5;
	v5 =	vshll.u32 v17, v0;
	v13 =	vmul.bf16 v15, v13;
	v15 =	vld [tilespmem:s22+$0x70]  }
0x62: {  	v16 =	vbroadcast v16, $0x0;
	v18 =	vld [tilespmem:s22+$0x50];
	v17 =	vshll.u32 v23, v0;
	v5 =	vadd.s32 $0x2, v5;
	(xrf2) =	vadd.scan.msk.f32 $0xffff, v8  }
0x63: {  	v1 =	vld [tilespmem:s22+$0xFFFFFF00];
	v6 =	vadd.bf16 v6, v7;
	v59 =	vbroadcast v5, $0x0;
	v5 =	vadd.bf16 v13, v19  }
0x64: {  	v60 =	vld [tilespmem:s24+$0x90];
	v9 =	vadd.s32 $0x4, v9;
	v57 =	vshll.u32 v25, v0;
	v8 =	vadd.s32 $0x3, v17  }
0x65: {  	v17 =	vld [tilespmem:s24+$0x80];
	v10 =	vmul.bf16 v10, v54;
	v8 =	vbroadcast v8, $0x0;
	v5 =	vadd.bf16 v5, v6  }
0x66: {  	v62 =	vshll.u32 v11, v0;
	v61, _, _ =	vpop (xrf2);
	v13 =	vld [tilespmem:s22+$0x80];
	v11 =	vmul.bf16 v56, v12;
	v12 =	vmul.bf16 v15, v58  }
0x67: {  	[tilespmem:v14+s18+$0x0] =	vst.idx.msk vm0, v61;
	v6 =	vmul.bf16 v18, v55;
	v18 =	vld [tilespmem:s22+$0x90];
	v14 =	vunpack.i.u.bf16.f32 v5;
	v5 =	vunpack.i.l.bf16.f32 v5;
	v15, _, _ =	vpop (xrf2)  }
0x68: {  	v7 =	vbroadcast v9, $0x0;
	v9 =	vld [tilespmem:s24+$0xA0];
	v14 =	vadd.f32 v5, v14;
	[tilespmem:v16+s18+$0x0] =	vst.idx.msk vm0, v15;
	v16 =	vadd.bf16 v12, v11  }
0x69: {  	v22 =	vshll.u32 v22, v0;
	v19 =	vadd.s32 $0x6, v57;
	v63 =	vadd.bf16 v6, v10;
	v10 =	vld [tilespmem:s22+$0xA0]  }
0x6a: {  	v3 =	vadd.bf16 v4, v3;
	v22 =	vadd.s32 $0x5, v22;
	v4 =	vbroadcast v19, $0x0;
	v11 =	vld [tilespmem:s24+$0xB0];
	(xrf2) =	vadd.scan.msk.f32 $0xffff, v14  }
0x6b: {  	v6 =	vbroadcast v22, $0x0;
	v13 =	vmul.bf16 v13, v17;
	v15, _, _ =	vpop (xrf2);
	v12 =	vld [tilespmem:s22+$0xB0]  }
0x6c: {  	s23 =	simm.s32 $0x0;
	v5 =	vbroadcast v62, $0x0;
	v14 =	vld [tilespmem:s24+$0xFFFFFF00];
	v17 =	vmul.bf16 v18, v60;
	s24 =	sadd.s32 $0x200, s24;
	[tilespmem:v59+s18+$0x0] =	vst.idx.msk vm0, v15;
	v15 =	vadd.bf16 v16, v63;
	v16, _, _ =	vpop (xrf2)  }
.LBB2_4:
0x6d: {  	v18 =	vld [tilespmem:s24+$0xC0];
	[tilespmem:v8+s18+$0x0] =	vst.idx.msk vm0, v16;
	s22 =	sadd.s32 $0x200, s22;
	s25 =	smov.u32 s23  }
0x6e: {  	v8 =	vld [tilespmem:s22+$0xC0];
	v16 =	vunpack.i.u.bf16.f32 v15;
	v9 =	vmul.bf16 v10, v9;
	v10 =	vadd.bf16 v17, v13  }
0x6f: {  	v15 =	vunpack.i.l.bf16.f32 v15;
	v13 =	vld [tilespmem:s24+$0xD0]  }
0x70: {  	v15 =	vadd.f32 v15, v16;
	v17 =	vld [tilespmem:s22+$0xD0];
	v11 =	vmul.bf16 v12, v11  }
0x71: {  	v12 =	vld [tilespmem:s24+$0xE0];
	v1 =	vmul.bf16 v1, v14  }
0x72: {  	v14 =	vld [tilespmem:s22+$0xE0];
	v9 =	vadd.bf16 v11, v9;
	(xrf2) =	vadd.scan.msk.f32 $0xffff, v15  }
0x73: {  	v11 =	vld [tilespmem:s24+$0xF0];
	v2 =	vadd.bf16 v2, v1  }
0x74: {  	s23 =	sadd.s32 $0x8, s23;
	v15 =	vld [tilespmem:s22+$0xF0];
	v9 =	vadd.bf16 v9, v10;
	v10, _, _ =	vpop (xrf2)  }
0x75: {  	p2 =	slt.u32 s23, $0xF8;
	v1 =	vld [tilespmem:s22+$0xFFFFFF00];
	v2 =	vadd.bf16 v3, v2;
	[tilespmem:v7+s18+$0x0] =	vst.idx.msk vm0, v10  }
0x76: {  	v3 =	vld [tilespmem:s24+$0xFFFFFF10];
	v7 =	vunpack.i.u.bf16.f32 v9;
	v9 =	vunpack.i.l.bf16.f32 v9  }
0x77: {  	v10 =	vld [tilespmem:s22+$0xFFFFFF10];
	v16 =	vunpack.i.u.bf16.f32 v2;
	v2 =	vunpack.i.l.bf16.f32 v2;
	v7 =	vadd.f32 v9, v7  }
0x78: {  	v8 =	vmul.bf16 v8, v18;
	v13 =	vmul.bf16 v17, v13;
	v9 =	vld [tilespmem:s24+$0xFFFFFF20];
	v2 =	vadd.f32 v2, v16  }
0x79: {  	v12 =	vmul.bf16 v14, v12;
	v16 =	vld [tilespmem:s22+$0xFFFFFF20];
	v11 =	vmul.bf16 v15, v11  }
0x7a: {  	v14 =	vld [tilespmem:s24+$0xFFFFFF30];
	(xrf2) =	vadd.scan.msk.f32 $0xffff, v2  }
0x7b: {  	v8 =	vadd.bf16 v13, v8;
	v15 =	vld [tilespmem:s22+$0xFFFFFF30];
	v11 =	vadd.bf16 v11, v12  }
0x7c: {  	v2 =	vmul.bf16 v10, v3;
	v10 =	vld [tilespmem:s24+$0xFFFFFF40];
	v3, _, _ =	vpop (xrf2)  }
0x7d: {  	v12 =	vld [tilespmem:s22+$0xFFFFFF40];
	v8 =	vadd.bf16 v11, v8;
	[tilespmem:v6+s18+$0x0] =	vst.idx.msk vm0, v3;
	(xrf2) =	vadd.scan.msk.f32 $0xffff, v7  }
0x7e: {  	v3 =	vmul.bf16 v16, v9;
	v6 =	vld [tilespmem:s24+$0xFFFFFF50]  }
0x7f: {  	v7 =	vld [tilespmem:s22+$0xFFFFFF50];
	v9 =	vunpack.i.u.bf16.f32 v8;
	v8 =	vunpack.i.l.bf16.f32 v8  }
0x80: {  	v11 =	vmul.bf16 v15, v14;
	v13 =	vld [tilespmem:s24+$0xFFFFFF60];
	v8 =	vadd.f32 v8, v9  }
0x81: {  	s25 =	sadd.s32 s25, s20;
	v9 =	vld [tilespmem:s22+$0xFFFFFF60]  }
0x82: {  	s26 =	sadd.s32 $0x9, s25;
	s28 =	sadd.s32 $0xA, s25;
	s29 =	sadd.s32 $0xF, s25;
	v3 =	vadd.bf16 v11, v3;
	v10 =	vmul.bf16 v12, v10;
	v11 =	vld [tilespmem:s24+$0xFFFFFF70];
	(xrf2) =	vadd.scan.msk.f32 $0xffff, v8  }
0x83: {  	s30 =	sadd.s32 $0xD, s25;
	v14 =	vmov s28;
	s28 =	sadd.s32 $0xC, s25;
	v15 =	vmov s29;
	v12 =	vmov s26;
	s26 =	sadd.s32 $0xB, s25;
	v8 =	vld [tilespmem:s22+$0xFFFFFF70]  }
0x84: {  	s29 =	sadd.s32 $0x8, s25;
	v15 =	vshrl.u32 v15, $0x3;
	s25 =	sadd.s32 $0xE, s25;
	v16 =	vmov s26;
	v6 =	vmul.bf16 v7, v6;
	v7 =	vld [tilespmem:s24+$0xFFFFFF80];
	v17, _, _ =	vpop (xrf2)  }
0x85: {  	v20 =	vmov s30;
	v19 =	vmov s28;
	v15 =	vshll.u32 v15, v0;
	v18 =	vld [tilespmem:s22+$0xFFFFFF80];
	[tilespmem:v5+s18+$0x0] =	vst.idx.msk vm0, v17  }
0x86: {  	v5 =	vmul.bf16 v9, v13;
	v6 =	vadd.bf16 v6, v10;
	v9 =	vld [tilespmem:s24+$0xFFFFFF90];
	v10 =	vadd.s32 $0x7, v15  }
0x87: {  	v12 =	vshrl.u32 v12, $0x3;
	v15 =	vmov s25;
	v13 =	vld [tilespmem:s22+$0xFFFFFF90];
	v10 =	vbroadcast v10, $0x0;
	v17, _, _ =	vpop (xrf2)  }
0x88: {  	v14 =	vshrl.u32 v14, $0x3;
	v16 =	vshrl.u32 v16, $0x3;
	v8 =	vmul.bf16 v8, v11;
	v11 =	vld [tilespmem:s24+$0xFFFFFFA0];
	[tilespmem:v4+s18+$0x0] =	vst.idx.msk vm0, v17  }
0x89: {  	v15 =	vshrl.u32 v15, $0x3;
	v17 =	vshrl.u32 v19, $0x3;
	v19 =	vshrl.u32 v20, $0x3;
	v4 =	vld [tilespmem:s22+$0xFFFFFFA0]  }
0x8a: {  	v20 =	vmov s29;
	v5 =	vadd.bf16 v8, v5;
	v7 =	vmul.bf16 v18, v7;
	v8 =	vld [tilespmem:s24+$0xFFFFFFB0]  }
0x8b: {  	v14 =	vshll.u32 v14, v0;
	v12 =	vshll.u32 v12, v0;
	v16 =	vshll.u32 v16, v0;
	v18 =	vld [tilespmem:s22+$0xFFFFFFB0]  }
0x8c: {  	v5 =	vadd.bf16 v5, v6;
	v6 =	vmul.bf16 v13, v9;
	v9 =	vld [tilespmem:s24+$0xFFFFFFC0];
	v13 =	vshll.u32 v17, v0;
	v17, _, _ =	vpop (xrf2)  }
0x8d: {  	v15 =	vshll.u32 v15, v0;
	v20 =	vshrl.u32 v20, $0x3;
	v19 =	vshll.u32 v19, v0;
	v21 =	vld [tilespmem:s22+$0xFFFFFFC0];
	[tilespmem:v10+s18+$0x0] =	vst.idx.msk vm0, v17  }
0x8e: {  	v10 =	vunpack.i.u.bf16.f32 v5;
	v4 =	vmul.bf16 v4, v11;
	v6 =	vadd.bf16 v6, v7;
	v7 =	vld [tilespmem:s24+$0xFFFFFFD0]  }
0x8f: {  	v5 =	vunpack.i.l.bf16.f32 v5;
	v11 =	vadd.s32 $0x1, v12;
	v12 =	vadd.s32 $0x2, v14;
	v14 =	vld [tilespmem:s22+$0xFFFFFFD0]  }
0x90: {  	v16 =	vadd.s32 $0x3, v16;
	v5 =	vadd.f32 v5, v10;
	v8 =	vmul.bf16 v18, v8;
	v10 =	vld [tilespmem:s24+$0xFFFFFFE0]  }
0x91: {  	v15 =	vadd.s32 $0x6, v15;
	v13 =	vadd.s32 $0x4, v13;
	v18 =	vadd.s32 $0x5, v19;
	v17 =	vld [tilespmem:s22+$0xFFFFFFE0]  }
0x92: {  	v19 =	vshll.u32 v20, v0;
	v4 =	vadd.bf16 v8, v4;
	v9 =	vmul.bf16 v21, v9;
	v20 =	vld [tilespmem:s24+$0xFFFFFFF0];
	(xrf2) =	vadd.scan.msk.f32 $0xffff, v5  }
0x93: {  	v11 =	vbroadcast v11, $0x0;
	v12 =	vbroadcast v12, $0x0;
	v21 =	vld [tilespmem:s22+$0xFFFFFFF0]  }
0x94: {  	v8 =	vbroadcast v16, $0x0;
	v4 =	vadd.bf16 v4, v6;
	v5 =	vmul.bf16 v14, v7;
	v14 =	vld [tilespmem:s24+$0x0]  }
0x95: {  	v7 =	vbroadcast v13, $0x0;
	v6 =	vbroadcast v18, $0x0;
	v16 =	vld [tilespmem:s22+$0x0]  }
0x96: {  	v13 =	vunpack.i.u.bf16.f32 v4;
	v10 =	vmul.bf16 v17, v10;
	v9 =	vadd.bf16 v5, v9;
	v17 =	vld [tilespmem:s24+$0x10]  }
0x97: {  	v5 =	vbroadcast v19, $0x0;
	v18 =	vunpack.i.l.bf16.f32 v4;
	v4 =	vbroadcast v15, $0x0;
	v19 =	vld [tilespmem:s22+$0x10]  }
0x98: {  	v13 =	vadd.f32 v18, v13;
	v15 =	vmul.bf16 v21, v20;
	v18 =	vld [tilespmem:s24+$0x20]  }
0x99: {  	v20 =	vld [tilespmem:s22+$0x20]  }
0x9a: {  	v10 =	vadd.bf16 v15, v10;
	v14 =	vmul.bf16 v16, v14;
	v15 =	vld [tilespmem:s24+$0x30];
	(xrf2) =	vadd.scan.msk.f32 $0xffff, v13  }
0x9b: {  	v13 =	vld [tilespmem:s22+$0x30]  }
0x9c: {  	v9 =	vadd.bf16 v10, v9;
	v10 =	vmul.bf16 v19, v17;
	v16 =	vld [tilespmem:s24+$0x40];
	v17, _, _ =	vpop (xrf2)  }
0x9d: {  	[tilespmem:v11+s18+$0x0] =	vst.idx.msk vm0, v17;
	v11 =	vld [tilespmem:s22+$0x40]  }
0x9e: {  	v17 =	vunpack.i.u.bf16.f32 v9;
	v18 =	vmul.bf16 v20, v18;
	v10 =	vadd.bf16 v10, v14;
	v14 =	vld [tilespmem:s24+$0x50]  }
0x9f: {  	v9 =	vunpack.i.l.bf16.f32 v9;
	v19 =	vld [tilespmem:s22+$0x50]  }
0xa0: {  	v9 =	vadd.f32 v9, v17;
	v13 =	vmul.bf16 v13, v15;
	v15 =	vld [tilespmem:s24+$0x60]  }
0xa1: {  	v17 =	vld [tilespmem:s22+$0x60]  }
0xa2: {  	v13 =	vadd.bf16 v13, v18;
	v11 =	vmul.bf16 v11, v16;
	v16 =	vld [tilespmem:s24+$0x70];
	(xrf2) =	vadd.scan.msk.f32 $0xffff, v9  }
0xa3: {  	v9 =	vld [tilespmem:s22+$0x70]  }
0xa4: {  	v10 =	vadd.bf16 v13, v10;
	v13 =	vmul.bf16 v19, v14;
	v14 =	vld [tilespmem:s24+$0x80];
	v18, _, _ =	vpop (xrf2)  }
0xa5: {  	[tilespmem:v12+s18+$0x0] =	vst.idx.msk vm0, v18;
	v12 =	vld [tilespmem:s22+$0x80]  }
0xa6: {  	v18 =	vunpack.i.u.bf16.f32 v10;
	v15 =	vmul.bf16 v17, v15;
	v17 =	vadd.bf16 v13, v11;
	v19 =	vld [tilespmem:s24+$0x90]  }
0xa7: {  	v10 =	vunpack.i.l.bf16.f32 v10;
	v20 =	vld [tilespmem:s22+$0x90]  }
.Ltmp0:
0xa8: {  	v18 =	vadd.f32 v10, v18;
	v11 =	vmul.bf16 v9, v16;
	v9 =	vld [tilespmem:s24+$0xA0];
	(pc) =	sbr.rel @p2 .LBB2_4-.Ltmp0, $4  }
0xa9: {  	v10 =	vld [tilespmem:s22+$0xA0]  }
0xaa: {  	v15 =	vadd.bf16 v11, v15;
	v13 =	vmul.bf16 v12, v14;
	v11 =	vld [tilespmem:s24+$0xB0];
	(xrf2) =	vadd.scan.msk.f32 $0xffff, v18  }
0xab: {  	v12 =	vld [tilespmem:s22+$0xB0]  }
0xac: {  	v14 =	vld [tilespmem:s24+$0xFFFFFF00];
	v15 =	vadd.bf16 v15, v17;
	v17 =	vmul.bf16 v20, v19;
	s24 =	sadd.s32 $0x200, s24;
	v16, _, _ =	vpop (xrf2)  }
0xad: {  	_ =	sdelay $0x3  }
0xae: {  	v1 =	vmul.bf16 v1, v14  }
0xaf: {  	v9 =	vmul.bf16 v10, v9;
	v60 =	vmul.bf16 v12, v11  }
0xb0: {  	v1 =	vadd.bf16 v2, v1  }
0xb1: {  	v9 =	vadd.bf16 v60, v9;
	v2 =	vadd.bf16 v17, v13  }
0xb2: {  	v1 =	vadd.bf16 v3, v1  }
0xb3: {  	v61 =	vunpack.i.l.bf16.f32 v15;
	v3 =	vunpack.i.u.bf16.f32 v15;
	v2 =	vadd.bf16 v9, v2  }
0xb4: {  	v3 =	vadd.f32 v61, v3;
	v62 =	vunpack.i.u.bf16.f32 v1;
	v1 =	vunpack.i.l.bf16.f32 v1  }
0xb5: {  	v63 =	vunpack.i.u.bf16.f32 v2;
	v2 =	vunpack.i.l.bf16.f32 v2;
	v1 =	vadd.f32 v1, v62  }
0xb6: {  	(xrf2) =	vadd.scan.msk.f32 $0xffff, v3;
	v2 =	vadd.f32 v2, v63  }
0xb7: {  	(xrf2) =	vadd.scan.msk.f32 $0xffff, v1  }
0xb8: {  	(xrf2) =	vadd.scan.msk.f32 $0xffff, v2;
	_ =	sdelay $0x6  }
0xb9: {  	[tilespmem:v8+s18+$0x0] =	vst.idx.msk vm0, v16;
	v1, _, _ =	vpop (xrf2)  }
0xba: {  	[tilespmem:v7+s18+$0x0] =	vst.idx.msk vm0, v1;
	v2, _, _ =	vpop (xrf2)  }
0xbb: {  	[tilespmem:v6+s18+$0x0] =	vst.idx.msk vm0, v2;
	v1, _, _ =	vpop (xrf2)  }
0xbc: {  	[tilespmem:v5+s18+$0x0] =	vst.idx.msk vm0, v1;
	v1, _, _ =	vpop (xrf2)  }
0xbd: {  	[tilespmem:v4+s18+$0x0] =	vst.idx.msk vm0, v1  }
0xbe: {  	p2 =	seq.s32 s21, $0x28  }
.Ltmp1:
0xbf: {  	_ = 	snop;
	(pc) =	sbr.rel @!p2 .LBB2_3-.Ltmp1, $2  }
0xc0: {  	_ =	sdelay $0x2  }
0xc1: {  	s20 =	sadd.s32 $0x100, s20;
	p1 =	por !p1, !p1  }
0xc2: {  	s20 =	simm.s32 @p0 $0x0;
	s21 =	simm.s32 @p0 $0x15000  }
0xc3: {  	[hbm4b:s7+s20] =	stream.linear.scatter @p0 [tilespmem:s21], [sflag:$0x5], $0xA00, $0x38;
	[tilespmem:$0x17800] =	vst v63  }
0xc4: {  	s20 =	simm.s32 @p0 $0x5  }
0xc5: {  	_ =	swait.ge @p0 [sflag:s20], $0xA00  }
0xc6: {  	s19 =	sadd.s32 $0x1, s19;
	s21 =	simm.s32 @!p0 $0x15000;
	[sflag:s20] =	ssyncset.done @p0 $0x0  }
0xc7: {  	p1 =	sne.s32 s19, s8;
	[sflag:s20] =	ssyncadd.s32 @p0 $0xFFFFF600;
	s20 =	simm.s32 @!p0 $0x0  }
0xc8: {  	[hbm4b:s6+s20] =	stream.linear.scatter @!p0 [tilespmem:s21], [sflag:$0x5], $0x2800, $0x38;
	[tilespmem:$0x17800] =	vst v63  }
.Ltmp2:
0xc9: {  	_ = 	snop;
	(pc) =	sbr.rel @p1 .LBB2_1-.Ltmp2, $4  }
0xca: {  	s20 =	simm.s32 @!p0 $0x5  }
0xcb: {  	_ =	swait.ge @!p0 [sflag:s20], $0x2800  }
0xcc: {  	[sflag:s20] =	ssyncset.done @!p0 $0x0  }
0xcd: {  	[sflag:s20] =	ssyncadd.s32 @!p0 $0xFFFFD800  }
0xce: {  	_ =	sfence.sel $0x180000  }
0xcf: {  	[bflag:$0x0] =	sbarrier.arrive $0xFFFF  }
0xd0: {  	p0 =	sne.s32 s0, $0x0;
	_ =	strace $0x90000047  }
0xd1: {  	s0 =	sadd.s32 @!p0 $0x100000, s1;
	[bflag:$0x2] =	sbarrier.arrive $0xFFFF  }
0xd2: {  	[sflag:s0] =	ssyncadd.tile.s32 @!p0 $0x1;
	_ =	shalt  }
.Lfunc_end2:
_tile_overlayer_lowered:
.L_overlay_start_2:
0xd3: {  	(tag) =	ssettag $0x2  }
0xd4: {  	s0 =	rddreg [dreg:$0x0];
	s2 =	stileid.u32  }
0xd5: {  	s1 =	rddreg [dreg:$0x1];
	p0 =	sne.s32 s2, $0x0  }
0xd6: {  	s3 =	rddreg [dreg:$0x2];
	[bflag:$0x3] =	sbarrier.arrive $0xFFFF;
	s2 =	simm.s32 @!p0 $0x1C05  }
0xd7: {  	[timem:s3], [sflag:s2] =	dma.local @!p0 [hbm:s0], s1  }
0xd8: {  	s0 =	simm.s32 @!p0 $0x5  }
0xd9: {  	_ =	swait.ge @!p0 [sflag:s0], s1  }
0xda: {  	s1 =	ssub.s32 @!p0 $0x0, s1;
	[sflag:s0] =	ssyncset.done @!p0 $0x0  }
0xdb: {  	[sflag:s0] =	ssyncadd.s32 @!p0 s1  }
0xdc: {  	[bflag:$0x3] =	sbarrier.arrive $0xFFFF  }
0xdd: {  	_ =	shalt  }

</sc_bundles>
